<compile_context>
chip_gen: v7x
topology: tpu7x:2x2x1
jax: 0.10.2.dev20260603
libtpu: 0.0.44.dev20260713+nightly
codegen_flags: <defaults>
</compile_context>

<pallas_src>
import functools

import jax
import jax.numpy as jnp
from jax import lax
from jax.experimental import pallas as pl
from jax.experimental.pallas import tpu as pltpu
from jax.experimental.pallas import tpu_sc as plsc

_B, _S, _K = 4096, 200, 10
_N = _S * 2 * _K
_ROWS = _B * _S
_NPOS = _ROWS * _K
_TOT = _ROWS * 2 * _K
_VOCAB = 1_000_000


def _neg_indices():
    return jax.random.uniform(
        jax.random.key(12345), (_NPOS,), minval=1.0, maxval=float(_VOCAB)
    ).astype(jnp.int32)


_NC, _NS, _L = 2, 16, 16
_NW = _NC * _NS
_RPW = _ROWS // _NW
_CH = 512
_NCHUNK = _RPW // _CH
_CHP = _CH * _K
_CHO = _CH * 2 * _K
_G = _CHO // 80

_sc_mesh = plsc.VectorSubcoreMesh(core_axis_name="c", subcore_axis_name="s")


@functools.partial(
    pl.kernel,
    out_type=jax.ShapeDtypeStruct((_TOT,), jnp.float32),
    mesh=_sc_mesh,
    scratch_types=[
        pltpu.VMEM_SHARED((_VOCAB,), jnp.float32),
        pltpu.VMEM((_CHO,), jnp.int32),
        pltpu.VMEM((_CHO,), jnp.int32),
        pltpu.VMEM((_CHO,), jnp.float32),
        pltpu.VMEM((_CHO,), jnp.float32),
        pltpu.VMEM((_CHO,), jnp.float32),
        pltpu.SemaphoreType.DMA,
        pltpu.SemaphoreType.DMA,
    ],
    compiler_params=pltpu.CompilerParams(needs_layout_passes=False),
)
def _sc_gather(table_hbm, tgt_hbm, neg_hbm, w_hbm,
               table_sh, idx0, idx1, wb0, wb1, wout, sg0, sg1):
    cid = lax.axis_index("c")
    sid = lax.axis_index("s")
    wid = sid * _NC + cid

    @pl.when(sid == 0)
    def _stage():
        pltpu.async_copy(table_hbm, table_sh, sg0).wait()

    plsc.subcore_barrier()

    lane = lax.iota(jnp.int32, 16)
    pats = []
    for p in range(5):
        j = lane + p * 16
        r = j // (2 * _K)
        k = j % (2 * _K)
        pats.append(jnp.where(k < _K, r * _K + k, _CHP + r * _K + (k - _K)))

    def load_idx(c, idx_v):
        r0 = wid * _RPW + c * _CH
        po = pl.multiple_of(r0 * _K, 8)
        pltpu.sync_copy(tgt_hbm.at[pl.ds(po, _CHP)], idx_v.at[pl.ds(0, _CHP)])
        pltpu.sync_copy(neg_hbm.at[pl.ds(po, _CHP)], idx_v.at[pl.ds(_CHP, _CHP)])

    def interleave_store(c, wb):
        def g_body(g, carry):
            base = g * 40
            for p in range(5):
                vals = plsc.load_gather(wb, [pats[p] + base])
                wout[pl.ds(g * 80 + p * 16, 16)] = vals
            return carry

        lax.fori_loop(0, _G, g_body, 0, unroll=False)
        r0 = wid * _RPW + c * _CH
        oo = pl.multiple_of(r0 * 2 * _K, 8)
        pltpu.sync_copy(wout, w_hbm.at[pl.ds(oo, _CHO)])

    load_idx(0, idx0)
    pltpu.async_copy(table_sh.at[idx0], wb0, sg0)

    def half(c, idx_a, wb_a, sg_a, idx_b, wb_b, sg_b):
        pltpu.make_async_copy(table_sh.at[idx_a], wb_a, sg_a).wait()

        @pl.when(c + 1 < _NCHUNK)
        def _prefetch():
            load_idx(c + 1, idx_b)
            pltpu.async_copy(table_sh.at[idx_b], wb_b, sg_b)

        interleave_store(c, wb_a)

    def pair_body(i, carry):
        half(2 * i, idx0, wb0, sg0, idx1, wb1, sg1)
        half(2 * i + 1, idx1, wb1, sg1, idx0, wb0, sg0)
        return carry

    lax.fori_loop(0, _NCHUNK // 2, pair_body, 0, unroll=False)


_MCOLS = 2048
_MROWS = _TOT // _MCOLS
_BLK = 400


def _fused_body(x_ref, w_ref, o_ref):
    x = x_ref[...]
    o_ref[...] = w_ref[...] * (jnp.maximum(-x, 0.0) + jnp.log1p(jnp.exp(-jnp.abs(x))))


def kernel(logits, target, class_weights):
    tgt = target.reshape(-1)
    neg = _neg_indices()
    w = _sc_gather(class_weights, tgt, neg)
    out = pl.pallas_call(
        _fused_body,
        out_shape=jax.ShapeDtypeStruct((_MROWS, _MCOLS), jnp.float32),
        grid=(_MROWS // _BLK,),
        in_specs=[
            pl.BlockSpec((_BLK, _MCOLS), lambda i: (i, 0)),
            pl.BlockSpec((_BLK, _MCOLS), lambda i: (i, 0)),
        ],
        out_specs=pl.BlockSpec((_BLK, _MCOLS), lambda i: (i, 0)),
    )(logits.reshape(_MROWS, _MCOLS), w.reshape(_MROWS, _MCOLS))
    return out.reshape(_B, _N)

# --- scband reference (transcript-rebuilt; emitter-appended) ---
"""Pipeline reference for scband-binary-cross-entropy-loss-94489281195 (READ-ONLY COPY).

The authoritative reference and input builder live on the scoring server;
editing this copy changes nothing except your own understanding.
"""

import jax, jax.numpy as jnp
import numpy as np

VOCAB = 1000000
B, S, K = 4096, 200, 10


def setup_inputs(seed: int = 0) -> dict:
    key = jax.random.key(seed)
    k1, k2 = jax.random.split(key)
    logits = jax.random.normal(k1, (B, S, 2 * K), dtype=jnp.float32)
    target = jax.random.randint(k2, (B, S, K), 0, VOCAB, dtype=jnp.int32)
    # learned/param tensor per __init__(uni_prob=int): class_weights = ones(vocab)
    class_weights = jnp.ones((VOCAB,), dtype=jnp.float32)
    return {"logits": logits, "target": target, "class_weights": class_weights}


def _neg_samples(pos_targets, vocab_size):
    # samp_prob-is-None branch of the original: uniform(1, vocab) floats cast to long
    nkey = jax.random.key(12345)
    neg = jax.random.uniform(
        nkey, pos_targets.shape, minval=1.0, maxval=float(vocab_size)
    ).astype(jnp.int32)
    return jnp.concatenate([pos_targets, neg], axis=2)


def reference(logits, target, class_weights):
    # log_probabilities = LogSigmoid()(logits)
    log_probabilities = jax.nn.log_sigmoid(logits)
    # target = self._neg_samples(target)  -> (B, S, 2K)
    new_targets = _neg_samples(target, class_weights.shape[0])
    b = new_targets.shape[0]
    t2 = new_targets.reshape(b, -1)          # (B, S*2K)
    lp2 = log_probabilities.reshape(b, -1)   # (B, S*2K)
    # -class_weights[target] * log_sigmoid(logits), per-element losses
    w = jnp.take(class_weights, t2, axis=0)  # gather from 1M-row table
    return -w * lp2

if __name__ == "__main__":
    import jax
    _d = setup_inputs()
    print(jax.jit(kernel)(*tuple(_d.values())))

</pallas_src>

<mosaic_0001>
#map = affine_map<(d0, d1) -> (0)>
module attributes {stable_mosaic.version = 14 : i64} {
  func.func @_sc_gather(%arg0: i32, %arg1: i32, %arg2: memref<1000000xf32, #tpu.memory_space<hbm>>, %arg3: memref<8192000xi32, #tpu.memory_space<hbm>>, %arg4: memref<8192000xi32, #tpu.memory_space<hbm>>, %arg5: memref<16384000xf32, #tpu.memory_space<hbm>>, %arg6: memref<1000000xf32, #tpu.memory_space<vmem_shared>>, %arg7: memref<10240xi32, #tpu.memory_space<vmem>>, %arg8: memref<10240xi32, #tpu.memory_space<vmem>>, %arg9: memref<10240xf32, #tpu.memory_space<vmem>>, %arg10: memref<10240xf32, #tpu.memory_space<vmem>>, %arg11: memref<10240xf32, #tpu.memory_space<vmem>>, %arg12: memref<!tpu.dma_semaphore, #tpu.memory_space<semaphore_mem>>, %arg13: memref<!tpu.dma_semaphore, #tpu.memory_space<semaphore_mem>>) attributes {dimension_semantics = [#tpu.dimension_semantics<core_parallel>, #tpu.dimension_semantics<subcore_parallel>], iteration_bounds = array<i64: 2, 16>, scalar_prefetch = 0 : i64, scratch_operands = 8 : i64, tpu.core_type = #tpu.core_type<sc_vector_subcore>, window_params = [{transform_indices = #map}, {transform_indices = #map}, {transform_indices = #map}, {transform_indices = #map}]} {
    %mul3A = arith.constant 2 : i32
    %mul3A_0 = arith.muli %arg1, %mul3A : i32
    %add3A = arith.addi %mul3A_0, %arg0 : i32
    %eq3A = arith.constant 0 : i32
    %eq3A_1 = arith.cmpi eq, %arg1, %eq3A : i32
    %convert_element_type3A = arith.extui %eq3A_1 : i1 to i32
    %cond3A = arith.constant 0 : i32
    %cond3A_2 = arith.cmpi ne, %convert_element_type3A, %cond3A : i32
    scf.if %cond3A_2 {
      tpu.enqueue_dma source(%arg2 : memref<1000000xf32, #tpu.memory_space<hbm>>) target(%arg6 : memref<1000000xf32, #tpu.memory_space<vmem_shared>>) target_semaphore(%arg12 : memref<!tpu.dma_semaphore, #tpu.memory_space<semaphore_mem>>)
      tpu.wait_dma2 semaphore(%arg12 : memref<!tpu.dma_semaphore, #tpu.memory_space<semaphore_mem>>) src(%arg2 : memref<1000000xf32, #tpu.memory_space<hbm>>) dst(%arg6 : memref<1000000xf32, #tpu.memory_space<vmem_shared>>)
    } else {
    }
    %barrier3A = arith.constant 0 : index
    tpu.barrier barrier_id(%barrier3A)
    %iota3A = tpu.iota {dimensions = array<i32: 0>} : vector<16xi32>
    %add3A_3 = arith.constant 0 : i32
    %add3A_4 = vector.broadcast %add3A_3 : i32 to vector<16xi32>
    %add3A_5 = arith.addi %iota3A, %add3A_4 : vector<16xi32>
    %jit3A = arith.constant 20 : i32
    %div3A = vector.broadcast %jit3A : i32 to vector<16xi32>
    %div3A_6 = arith.divsi %add3A_5, %div3A : vector<16xi32>
    %sign3A = arith.constant 0 : i32
    %sign3A_7 = vector.broadcast %sign3A : i32 to vector<16xi32>
    %sign3A_8 = arith.cmpi sgt, %add3A_5, %sign3A_7 : vector<16xi32>
    %sign3A_9 = arith.extui %sign3A_8 : vector<16xi1> to vector<16xi32>
    %sign3A_10 = arith.constant 0 : i32
    %sign3A_11 = vector.broadcast %sign3A_10 : i32 to vector<16xi32>
    %sign3A_12 = arith.cmpi slt, %add3A_5, %sign3A_11 : vector<16xi32>
    %sign3A_13 = arith.extui %sign3A_12 : vector<16xi1> to vector<16xi32>
    %sign3A_14 = arith.subi %sign3A_9, %sign3A_13 : vector<16xi32>
    %sign3A_15 = arith.constant 0 : i32
    %sign3A_16 = arith.cmpi sgt, %jit3A, %sign3A_15 : i32
    %sign3A_17 = arith.extui %sign3A_16 : i1 to i32
    %sign3A_18 = arith.constant 0 : i32
    %sign3A_19 = arith.cmpi slt, %jit3A, %sign3A_18 : i32
    %sign3A_20 = arith.extui %sign3A_19 : i1 to i32
    %sign3A_21 = arith.subi %sign3A_17, %sign3A_20 : i32
    %ne3A = vector.broadcast %sign3A_21 : i32 to vector<16xi32>
    %ne3A_22 = arith.cmpi ne, %sign3A_14, %ne3A : vector<16xi32>
    %rem3A = vector.broadcast %jit3A : i32 to vector<16xi32>
    %rem3A_23 = arith.remsi %add3A_5, %rem3A : vector<16xi32>
    %ne3A_24 = arith.constant 0 : i32
    %ne3A_25 = vector.broadcast %ne3A_24 : i32 to vector<16xi32>
    %ne3A_26 = arith.cmpi ne, %rem3A_23, %ne3A_25 : vector<16xi32>
    %and3A = arith.andi %ne3A_22, %ne3A_26 : vector<16xi1>
    %sub3A = arith.constant 1 : i32
    %sub3A_27 = vector.broadcast %sub3A : i32 to vector<16xi32>
    %sub3A_28 = arith.subi %div3A_6, %sub3A_27 : vector<16xi32>
    %select_n3A = arith.select %and3A, %sub3A_28, %div3A_6 : vector<16xi1>, vector<16xi32>
    %jit3A_29 = arith.constant 20 : i32
    %eq3A_30 = arith.constant 0 : i32
    %eq3A_31 = arith.cmpi eq, %jit3A_29, %eq3A_30 : i32
    %jit3A_32 = arith.constant 1 : i32
    %select_n3A_33 = arith.select %eq3A_31, %jit3A_32, %jit3A_29 : i32
    %rem3A_34 = vector.broadcast %select_n3A_33 : i32 to vector<16xi32>
    %rem3A_35 = arith.remsi %add3A_5, %rem3A_34 : vector<16xi32>
    %ne3A_36 = arith.constant 0 : i32
    %ne3A_37 = vector.broadcast %ne3A_36 : i32 to vector<16xi32>
    %ne3A_38 = arith.cmpi ne, %rem3A_35, %ne3A_37 : vector<16xi32>
    %lt3A = arith.constant 0 : i32
    %lt3A_39 = vector.broadcast %lt3A : i32 to vector<16xi32>
    %lt3A_40 = arith.cmpi slt, %rem3A_35, %lt3A_39 : vector<16xi32>
    %lt3A_41 = arith.constant 0 : i32
    %lt3A_42 = arith.cmpi slt, %select_n3A_33, %lt3A_41 : i32
    %ne3A_43 = vector.broadcast %lt3A_42 : i1 to vector<16xi1>
    %ne3A_44 = vector.broadcast %ne3A_43 : vector<16xi1> to vector<16xi1>
    %ne3A_45 = arith.xori %lt3A_40, %ne3A_44 : vector<16xi1>
    %and3A_46 = arith.andi %ne3A_45, %ne3A_38 : vector<16xi1>
    %add3A_47 = vector.broadcast %select_n3A_33 : i32 to vector<16xi32>
    %add3A_48 = arith.addi %rem3A_35, %add3A_47 : vector<16xi32>
    %select_n3A_49 = arith.select %and3A_46, %add3A_48, %rem3A_35 : vector<16xi1>, vector<16xi32>
    %lt3A_50 = arith.constant 10 : i32
    %lt3A_51 = vector.broadcast %lt3A_50 : i32 to vector<16xi32>
    %lt3A_52 = arith.cmpi slt, %select_n3A_49, %lt3A_51 : vector<16xi32>
    %mul3A_53 = arith.constant 10 : i32
    %mul3A_54 = vector.broadcast %mul3A_53 : i32 to vector<16xi32>
    %mul3A_55 = arith.muli %select_n3A, %mul3A_54 : vector<16xi32>
    %add3A_56 = arith.addi %mul3A_55, %select_n3A_49 : vector<16xi32>
    %mul3A_57 = arith.constant 10 : i32
    %mul3A_58 = vector.broadcast %mul3A_57 : i32 to vector<16xi32>
    %mul3A_59 = arith.muli %select_n3A, %mul3A_58 : vector<16xi32>
    %add3A_60 = arith.constant 5120 : i32
    %add3A_61 = vector.broadcast %add3A_60 : i32 to vector<16xi32>
    %add3A_62 = arith.addi %add3A_61, %mul3A_59 : vector<16xi32>
    %sub3A_63 = arith.constant 10 : i32
    %sub3A_64 = vector.broadcast %sub3A_63 : i32 to vector<16xi32>
    %sub3A_65 = arith.subi %select_n3A_49, %sub3A_64 : vector<16xi32>
    %add3A_66 = arith.addi %add3A_62, %sub3A_65 : vector<16xi32>
    %select_n3A_67 = arith.select %lt3A_52, %add3A_56, %add3A_66 : vector<16xi1>, vector<16xi32>
    %add3A_68 = arith.constant 16 : i32
    %add3A_69 = vector.broadcast %add3A_68 : i32 to vector<16xi32>
    %add3A_70 = arith.addi %iota3A, %add3A_69 : vector<16xi32>
    %jit3A_71 = arith.constant 20 : i32
    %div3A_72 = vector.broadcast %jit3A_71 : i32 to vector<16xi32>
    %div3A_73 = arith.divsi %add3A_70, %div3A_72 : vector<16xi32>
    %sign3A_74 = arith.constant 0 : i32
    %sign3A_75 = vector.broadcast %sign3A_74 : i32 to vector<16xi32>
    %sign3A_76 = arith.cmpi sgt, %add3A_70, %sign3A_75 : vector<16xi32>
    %sign3A_77 = arith.extui %sign3A_76 : vector<16xi1> to vector<16xi32>
    %sign3A_78 = arith.constant 0 : i32
    %sign3A_79 = vector.broadcast %sign3A_78 : i32 to vector<16xi32>
    %sign3A_80 = arith.cmpi slt, %add3A_70, %sign3A_79 : vector<16xi32>
    %sign3A_81 = arith.extui %sign3A_80 : vector<16xi1> to vector<16xi32>
    %sign3A_82 = arith.subi %sign3A_77, %sign3A_81 : vector<16xi32>
    %sign3A_83 = arith.constant 0 : i32
    %sign3A_84 = arith.cmpi sgt, %jit3A_71, %sign3A_83 : i32
    %sign3A_85 = arith.extui %sign3A_84 : i1 to i32
    %sign3A_86 = arith.constant 0 : i32
    %sign3A_87 = arith.cmpi slt, %jit3A_71, %sign3A_86 : i32
    %sign3A_88 = arith.extui %sign3A_87 : i1 to i32
    %sign3A_89 = arith.subi %sign3A_85, %sign3A_88 : i32
    %ne3A_90 = vector.broadcast %sign3A_89 : i32 to vector<16xi32>
    %ne3A_91 = arith.cmpi ne, %sign3A_82, %ne3A_90 : vector<16xi32>
    %rem3A_92 = vector.broadcast %jit3A_71 : i32 to vector<16xi32>
    %rem3A_93 = arith.remsi %add3A_70, %rem3A_92 : vector<16xi32>
    %ne3A_94 = arith.constant 0 : i32
    %ne3A_95 = vector.broadcast %ne3A_94 : i32 to vector<16xi32>
    %ne3A_96 = arith.cmpi ne, %rem3A_93, %ne3A_95 : vector<16xi32>
    %and3A_97 = arith.andi %ne3A_91, %ne3A_96 : vector<16xi1>
    %sub3A_98 = arith.constant 1 : i32
    %sub3A_99 = vector.broadcast %sub3A_98 : i32 to vector<16xi32>
    %sub3A_100 = arith.subi %div3A_73, %sub3A_99 : vector<16xi32>
    %select_n3A_101 = arith.select %and3A_97, %sub3A_100, %div3A_73 : vector<16xi1>, vector<16xi32>
    %jit3A_102 = arith.constant 20 : i32
    %eq3A_103 = arith.constant 0 : i32
    %eq3A_104 = arith.cmpi eq, %jit3A_102, %eq3A_103 : i32
    %jit3A_105 = arith.constant 1 : i32
    %select_n3A_106 = arith.select %eq3A_104, %jit3A_105, %jit3A_102 : i32
    %rem3A_107 = vector.broadcast %select_n3A_106 : i32 to vector<16xi32>
    %rem3A_108 = arith.remsi %add3A_70, %rem3A_107 : vector<16xi32>
    %ne3A_109 = arith.constant 0 : i32
    %ne3A_110 = vector.broadcast %ne3A_109 : i32 to vector<16xi32>
    %ne3A_111 = arith.cmpi ne, %rem3A_108, %ne3A_110 : vector<16xi32>
    %lt3A_112 = arith.constant 0 : i32
    %lt3A_113 = vector.broadcast %lt3A_112 : i32 to vector<16xi32>
    %lt3A_114 = arith.cmpi slt, %rem3A_108, %lt3A_113 : vector<16xi32>
    %lt3A_115 = arith.constant 0 : i32
    %lt3A_116 = arith.cmpi slt, %select_n3A_106, %lt3A_115 : i32
    %ne3A_117 = vector.broadcast %lt3A_116 : i1 to vector<16xi1>
    %ne3A_118 = vector.broadcast %ne3A_117 : vector<16xi1> to vector<16xi1>
    %ne3A_119 = arith.xori %lt3A_114, %ne3A_118 : vector<16xi1>
    %and3A_120 = arith.andi %ne3A_119, %ne3A_111 : vector<16xi1>
    %add3A_121 = vector.broadcast %select_n3A_106 : i32 to vector<16xi32>
    %add3A_122 = arith.addi %rem3A_108, %add3A_121 : vector<16xi32>
    %select_n3A_123 = arith.select %and3A_120, %add3A_122, %rem3A_108 : vector<16xi1>, vector<16xi32>
    %lt3A_124 = arith.constant 10 : i32
    %lt3A_125 = vector.broadcast %lt3A_124 : i32 to vector<16xi32>
    %lt3A_126 = arith.cmpi slt, %select_n3A_123, %lt3A_125 : vector<16xi32>
    %mul3A_127 = arith.constant 10 : i32
    %mul3A_128 = vector.broadcast %mul3A_127 : i32 to vector<16xi32>
    %mul3A_129 = arith.muli %select_n3A_101, %mul3A_128 : vector<16xi32>
    %add3A_130 = arith.addi %mul3A_129, %select_n3A_123 : vector<16xi32>
    %mul3A_131 = arith.constant 10 : i32
    %mul3A_132 = vector.broadcast %mul3A_131 : i32 to vector<16xi32>
    %mul3A_133 = arith.muli %select_n3A_101, %mul3A_132 : vector<16xi32>
    %add3A_134 = arith.constant 5120 : i32
    %add3A_135 = vector.broadcast %add3A_134 : i32 to vector<16xi32>
    %add3A_136 = arith.addi %add3A_135, %mul3A_133 : vector<16xi32>
    %sub3A_137 = arith.constant 10 : i32
    %sub3A_138 = vector.broadcast %sub3A_137 : i32 to vector<16xi32>
    %sub3A_139 = arith.subi %select_n3A_123, %sub3A_138 : vector<16xi32>
    %add3A_140 = arith.addi %add3A_136, %sub3A_139 : vector<16xi32>
    %select_n3A_141 = arith.select %lt3A_126, %add3A_130, %add3A_140 : vector<16xi1>, vector<16xi32>
    %add3A_142 = arith.constant 32 : i32
    %add3A_143 = vector.broadcast %add3A_142 : i32 to vector<16xi32>
    %add3A_144 = arith.addi %iota3A, %add3A_143 : vector<16xi32>
    %jit3A_145 = arith.constant 20 : i32
    %div3A_146 = vector.broadcast %jit3A_145 : i32 to vector<16xi32>
    %div3A_147 = arith.divsi %add3A_144, %div3A_146 : vector<16xi32>
    %sign3A_148 = arith.constant 0 : i32
    %sign3A_149 = vector.broadcast %sign3A_148 : i32 to vector<16xi32>
    %sign3A_150 = arith.cmpi sgt, %add3A_144, %sign3A_149 : vector<16xi32>
    %sign3A_151 = arith.extui %sign3A_150 : vector<16xi1> to vector<16xi32>
    %sign3A_152 = arith.constant 0 : i32
    %sign3A_153 = vector.broadcast %sign3A_152 : i32 to vector<16xi32>
    %sign3A_154 = arith.cmpi slt, %add3A_144, %sign3A_153 : vector<16xi32>
    %sign3A_155 = arith.extui %sign3A_154 : vector<16xi1> to vector<16xi32>
    %sign3A_156 = arith.subi %sign3A_151, %sign3A_155 : vector<16xi32>
    %sign3A_157 = arith.constant 0 : i32
    %sign3A_158 = arith.cmpi sgt, %jit3A_145, %sign3A_157 : i32
    %sign3A_159 = arith.extui %sign3A_158 : i1 to i32
    %sign3A_160 = arith.constant 0 : i32
    %sign3A_161 = arith.cmpi slt, %jit3A_145, %sign3A_160 : i32
    %sign3A_162 = arith.extui %sign3A_161 : i1 to i32
    %sign3A_163 = arith.subi %sign3A_159, %sign3A_162 : i32
    %ne3A_164 = vector.broadcast %sign3A_163 : i32 to vector<16xi32>
    %ne3A_165 = arith.cmpi ne, %sign3A_156, %ne3A_164 : vector<16xi32>
    %rem3A_166 = vector.broadcast %jit3A_145 : i32 to vector<16xi32>
    %rem3A_167 = arith.remsi %add3A_144, %rem3A_166 : vector<16xi32>
    %ne3A_168 = arith.constant 0 : i32
    %ne3A_169 = vector.broadcast %ne3A_168 : i32 to vector<16xi32>
    %ne3A_170 = arith.cmpi ne, %rem3A_167, %ne3A_169 : vector<16xi32>
    %and3A_171 = arith.andi %ne3A_165, %ne3A_170 : vector<16xi1>
    %sub3A_172 = arith.constant 1 : i32
    %sub3A_173 = vector.broadcast %sub3A_172 : i32 to vector<16xi32>
    %sub3A_174 = arith.subi %div3A_147, %sub3A_173 : vector<16xi32>
    %select_n3A_175 = arith.select %and3A_171, %sub3A_174, %div3A_147 : vector<16xi1>, vector<16xi32>
    %jit3A_176 = arith.constant 20 : i32
    %eq3A_177 = arith.constant 0 : i32
    %eq3A_178 = arith.cmpi eq, %jit3A_176, %eq3A_177 : i32
    %jit3A_179 = arith.constant 1 : i32
    %select_n3A_180 = arith.select %eq3A_178, %jit3A_179, %jit3A_176 : i32
    %rem3A_181 = vector.broadcast %select_n3A_180 : i32 to vector<16xi32>
    %rem3A_182 = arith.remsi %add3A_144, %rem3A_181 : vector<16xi32>
    %ne3A_183 = arith.constant 0 : i32
    %ne3A_184 = vector.broadcast %ne3A_183 : i32 to vector<16xi32>
    %ne3A_185 = arith.cmpi ne, %rem3A_182, %ne3A_184 : vector<16xi32>
    %lt3A_186 = arith.constant 0 : i32
    %lt3A_187 = vector.broadcast %lt3A_186 : i32 to vector<16xi32>
    %lt3A_188 = arith.cmpi slt, %rem3A_182, %lt3A_187 : vector<16xi32>
    %lt3A_189 = arith.constant 0 : i32
    %lt3A_190 = arith.cmpi slt, %select_n3A_180, %lt3A_189 : i32
    %ne3A_191 = vector.broadcast %lt3A_190 : i1 to vector<16xi1>
    %ne3A_192 = vector.broadcast %ne3A_191 : vector<16xi1> to vector<16xi1>
    %ne3A_193 = arith.xori %lt3A_188, %ne3A_192 : vector<16xi1>
    %and3A_194 = arith.andi %ne3A_193, %ne3A_185 : vector<16xi1>
    %add3A_195 = vector.broadcast %select_n3A_180 : i32 to vector<16xi32>
    %add3A_196 = arith.addi %rem3A_182, %add3A_195 : vector<16xi32>
    %select_n3A_197 = arith.select %and3A_194, %add3A_196, %rem3A_182 : vector<16xi1>, vector<16xi32>
    %lt3A_198 = arith.constant 10 : i32
    %lt3A_199 = vector.broadcast %lt3A_198 : i32 to vector<16xi32>
    %lt3A_200 = arith.cmpi slt, %select_n3A_197, %lt3A_199 : vector<16xi32>
    %mul3A_201 = arith.constant 10 : i32
    %mul3A_202 = vector.broadcast %mul3A_201 : i32 to vector<16xi32>
    %mul3A_203 = arith.muli %select_n3A_175, %mul3A_202 : vector<16xi32>
    %add3A_204 = arith.addi %mul3A_203, %select_n3A_197 : vector<16xi32>
    %mul3A_205 = arith.constant 10 : i32
    %mul3A_206 = vector.broadcast %mul3A_205 : i32 to vector<16xi32>
    %mul3A_207 = arith.muli %select_n3A_175, %mul3A_206 : vector<16xi32>
    %add3A_208 = arith.constant 5120 : i32
    %add3A_209 = vector.broadcast %add3A_208 : i32 to vector<16xi32>
    %add3A_210 = arith.addi %add3A_209, %mul3A_207 : vector<16xi32>
    %sub3A_211 = arith.constant 10 : i32
    %sub3A_212 = vector.broadcast %sub3A_211 : i32 to vector<16xi32>
    %sub3A_213 = arith.subi %select_n3A_197, %sub3A_212 : vector<16xi32>
    %add3A_214 = arith.addi %add3A_210, %sub3A_213 : vector<16xi32>
    %select_n3A_215 = arith.select %lt3A_200, %add3A_204, %add3A_214 : vector<16xi1>, vector<16xi32>
    %add3A_216 = arith.constant 48 : i32
    %add3A_217 = vector.broadcast %add3A_216 : i32 to vector<16xi32>
    %add3A_218 = arith.addi %iota3A, %add3A_217 : vector<16xi32>
    %jit3A_219 = arith.constant 20 : i32
    %div3A_220 = vector.broadcast %jit3A_219 : i32 to vector<16xi32>
    %div3A_221 = arith.divsi %add3A_218, %div3A_220 : vector<16xi32>
    %sign3A_222 = arith.constant 0 : i32
    %sign3A_223 = vector.broadcast %sign3A_222 : i32 to vector<16xi32>
    %sign3A_224 = arith.cmpi sgt, %add3A_218, %sign3A_223 : vector<16xi32>
    %sign3A_225 = arith.extui %sign3A_224 : vector<16xi1> to vector<16xi32>
    %sign3A_226 = arith.constant 0 : i32
    %sign3A_227 = vector.broadcast %sign3A_226 : i32 to vector<16xi32>
    %sign3A_228 = arith.cmpi slt, %add3A_218, %sign3A_227 : vector<16xi32>
    %sign3A_229 = arith.extui %sign3A_228 : vector<16xi1> to vector<16xi32>
    %sign3A_230 = arith.subi %sign3A_225, %sign3A_229 : vector<16xi32>
    %sign3A_231 = arith.constant 0 : i32
    %sign3A_232 = arith.cmpi sgt, %jit3A_219, %sign3A_231 : i32
    %sign3A_233 = arith.extui %sign3A_232 : i1 to i32
    %sign3A_234 = arith.constant 0 : i32
    %sign3A_235 = arith.cmpi slt, %jit3A_219, %sign3A_234 : i32
    %sign3A_236 = arith.extui %sign3A_235 : i1 to i32
    %sign3A_237 = arith.subi %sign3A_233, %sign3A_236 : i32
    %ne3A_238 = vector.broadcast %sign3A_237 : i32 to vector<16xi32>
    %ne3A_239 = arith.cmpi ne, %sign3A_230, %ne3A_238 : vector<16xi32>
    %rem3A_240 = vector.broadcast %jit3A_219 : i32 to vector<16xi32>
    %rem3A_241 = arith.remsi %add3A_218, %rem3A_240 : vector<16xi32>
    %ne3A_242 = arith.constant 0 : i32
    %ne3A_243 = vector.broadcast %ne3A_242 : i32 to vector<16xi32>
    %ne3A_244 = arith.cmpi ne, %rem3A_241, %ne3A_243 : vector<16xi32>
    %and3A_245 = arith.andi %ne3A_239, %ne3A_244 : vector<16xi1>
    %sub3A_246 = arith.constant 1 : i32
    %sub3A_247 = vector.broadcast %sub3A_246 : i32 to vector<16xi32>
    %sub3A_248 = arith.subi %div3A_221, %sub3A_247 : vector<16xi32>
    %select_n3A_249 = arith.select %and3A_245, %sub3A_248, %div3A_221 : vector<16xi1>, vector<16xi32>
    %jit3A_250 = arith.constant 20 : i32
    %eq3A_251 = arith.constant 0 : i32
    %eq3A_252 = arith.cmpi eq, %jit3A_250, %eq3A_251 : i32
    %jit3A_253 = arith.constant 1 : i32
    %select_n3A_254 = arith.select %eq3A_252, %jit3A_253, %jit3A_250 : i32
    %rem3A_255 = vector.broadcast %select_n3A_254 : i32 to vector<16xi32>
    %rem3A_256 = arith.remsi %add3A_218, %rem3A_255 : vector<16xi32>
    %ne3A_257 = arith.constant 0 : i32
    %ne3A_258 = vector.broadcast %ne3A_257 : i32 to vector<16xi32>
    %ne3A_259 = arith.cmpi ne, %rem3A_256, %ne3A_258 : vector<16xi32>
    %lt3A_260 = arith.constant 0 : i32
    %lt3A_261 = vector.broadcast %lt3A_260 : i32 to vector<16xi32>
    %lt3A_262 = arith.cmpi slt, %rem3A_256, %lt3A_261 : vector<16xi32>
    %lt3A_263 = arith.constant 0 : i32
    %lt3A_264 = arith.cmpi slt, %select_n3A_254, %lt3A_263 : i32
    %ne3A_265 = vector.broadcast %lt3A_264 : i1 to vector<16xi1>
    %ne3A_266 = vector.broadcast %ne3A_265 : vector<16xi1> to vector<16xi1>
    %ne3A_267 = arith.xori %lt3A_262, %ne3A_266 : vector<16xi1>
    %and3A_268 = arith.andi %ne3A_267, %ne3A_259 : vector<16xi1>
    %add3A_269 = vector.broadcast %select_n3A_254 : i32 to vector<16xi32>
    %add3A_270 = arith.addi %rem3A_256, %add3A_269 : vector<16xi32>
    %select_n3A_271 = arith.select %and3A_268, %add3A_270, %rem3A_256 : vector<16xi1>, vector<16xi32>
    %lt3A_272 = arith.constant 10 : i32
    %lt3A_273 = vector.broadcast %lt3A_272 : i32 to vector<16xi32>
    %lt3A_274 = arith.cmpi slt, %select_n3A_271, %lt3A_273 : vector<16xi32>
    %mul3A_275 = arith.constant 10 : i32
    %mul3A_276 = vector.broadcast %mul3A_275 : i32 to vector<16xi32>
    %mul3A_277 = arith.muli %select_n3A_249, %mul3A_276 : vector<16xi32>
    %add3A_278 = arith.addi %mul3A_277, %select_n3A_271 : vector<16xi32>
    %mul3A_279 = arith.constant 10 : i32
    %mul3A_280 = vector.broadcast %mul3A_279 : i32 to vector<16xi32>
    %mul3A_281 = arith.muli %select_n3A_249, %mul3A_280 : vector<16xi32>
    %add3A_282 = arith.constant 5120 : i32
    %add3A_283 = vector.broadcast %add3A_282 : i32 to vector<16xi32>
    %add3A_284 = arith.addi %add3A_283, %mul3A_281 : vector<16xi32>
    %sub3A_285 = arith.constant 10 : i32
    %sub3A_286 = vector.broadcast %sub3A_285 : i32 to vector<16xi32>
    %sub3A_287 = arith.subi %select_n3A_271, %sub3A_286 : vector<16xi32>
    %add3A_288 = arith.addi %add3A_284, %sub3A_287 : vector<16xi32>
    %select_n3A_289 = arith.select %lt3A_274, %add3A_278, %add3A_288 : vector<16xi1>, vector<16xi32>
    %add3A_290 = arith.constant 64 : i32
    %add3A_291 = vector.broadcast %add3A_290 : i32 to vector<16xi32>
    %add3A_292 = arith.addi %iota3A, %add3A_291 : vector<16xi32>
    %jit3A_293 = arith.constant 20 : i32
    %div3A_294 = vector.broadcast %jit3A_293 : i32 to vector<16xi32>
    %div3A_295 = arith.divsi %add3A_292, %div3A_294 : vector<16xi32>
    %sign3A_296 = arith.constant 0 : i32
    %sign3A_297 = vector.broadcast %sign3A_296 : i32 to vector<16xi32>
    %sign3A_298 = arith.cmpi sgt, %add3A_292, %sign3A_297 : vector<16xi32>
    %sign3A_299 = arith.extui %sign3A_298 : vector<16xi1> to vector<16xi32>
    %sign3A_300 = arith.constant 0 : i32
    %sign3A_301 = vector.broadcast %sign3A_300 : i32 to vector<16xi32>
    %sign3A_302 = arith.cmpi slt, %add3A_292, %sign3A_301 : vector<16xi32>
    %sign3A_303 = arith.extui %sign3A_302 : vector<16xi1> to vector<16xi32>
    %sign3A_304 = arith.subi %sign3A_299, %sign3A_303 : vector<16xi32>
    %sign3A_305 = arith.constant 0 : i32
    %sign3A_306 = arith.cmpi sgt, %jit3A_293, %sign3A_305 : i32
    %sign3A_307 = arith.extui %sign3A_306 : i1 to i32
    %sign3A_308 = arith.constant 0 : i32
    %sign3A_309 = arith.cmpi slt, %jit3A_293, %sign3A_308 : i32
    %sign3A_310 = arith.extui %sign3A_309 : i1 to i32
    %sign3A_311 = arith.subi %sign3A_307, %sign3A_310 : i32
    %ne3A_312 = vector.broadcast %sign3A_311 : i32 to vector<16xi32>
    %ne3A_313 = arith.cmpi ne, %sign3A_304, %ne3A_312 : vector<16xi32>
    %rem3A_314 = vector.broadcast %jit3A_293 : i32 to vector<16xi32>
    %rem3A_315 = arith.remsi %add3A_292, %rem3A_314 : vector<16xi32>
    %ne3A_316 = arith.constant 0 : i32
    %ne3A_317 = vector.broadcast %ne3A_316 : i32 to vector<16xi32>
    %ne3A_318 = arith.cmpi ne, %rem3A_315, %ne3A_317 : vector<16xi32>
    %and3A_319 = arith.andi %ne3A_313, %ne3A_318 : vector<16xi1>
    %sub3A_320 = arith.constant 1 : i32
    %sub3A_321 = vector.broadcast %sub3A_320 : i32 to vector<16xi32>
    %sub3A_322 = arith.subi %div3A_295, %sub3A_321 : vector<16xi32>
    %select_n3A_323 = arith.select %and3A_319, %sub3A_322, %div3A_295 : vector<16xi1>, vector<16xi32>
    %jit3A_324 = arith.constant 20 : i32
    %eq3A_325 = arith.constant 0 : i32
    %eq3A_326 = arith.cmpi eq, %jit3A_324, %eq3A_325 : i32
    %jit3A_327 = arith.constant 1 : i32
    %select_n3A_328 = arith.select %eq3A_326, %jit3A_327, %jit3A_324 : i32
    %rem3A_329 = vector.broadcast %select_n3A_328 : i32 to vector<16xi32>
    %rem3A_330 = arith.remsi %add3A_292, %rem3A_329 : vector<16xi32>
    %ne3A_331 = arith.constant 0 : i32
    %ne3A_332 = vector.broadcast %ne3A_331 : i32 to vector<16xi32>
    %ne3A_333 = arith.cmpi ne, %rem3A_330, %ne3A_332 : vector<16xi32>
    %lt3A_334 = arith.constant 0 : i32
    %lt3A_335 = vector.broadcast %lt3A_334 : i32 to vector<16xi32>
    %lt3A_336 = arith.cmpi slt, %rem3A_330, %lt3A_335 : vector<16xi32>
    %lt3A_337 = arith.constant 0 : i32
    %lt3A_338 = arith.cmpi slt, %select_n3A_328, %lt3A_337 : i32
    %ne3A_339 = vector.broadcast %lt3A_338 : i1 to vector<16xi1>
    %ne3A_340 = vector.broadcast %ne3A_339 : vector<16xi1> to vector<16xi1>
    %ne3A_341 = arith.xori %lt3A_336, %ne3A_340 : vector<16xi1>
    %and3A_342 = arith.andi %ne3A_341, %ne3A_333 : vector<16xi1>
    %add3A_343 = vector.broadcast %select_n3A_328 : i32 to vector<16xi32>
    %add3A_344 = arith.addi %rem3A_330, %add3A_343 : vector<16xi32>
    %select_n3A_345 = arith.select %and3A_342, %add3A_344, %rem3A_330 : vector<16xi1>, vector<16xi32>
    %lt3A_346 = arith.constant 10 : i32
    %lt3A_347 = vector.broadcast %lt3A_346 : i32 to vector<16xi32>
    %lt3A_348 = arith.cmpi slt, %select_n3A_345, %lt3A_347 : vector<16xi32>
    %mul3A_349 = arith.constant 10 : i32
    %mul3A_350 = vector.broadcast %mul3A_349 : i32 to vector<16xi32>
    %mul3A_351 = arith.muli %select_n3A_323, %mul3A_350 : vector<16xi32>
    %add3A_352 = arith.addi %mul3A_351, %select_n3A_345 : vector<16xi32>
    %mul3A_353 = arith.constant 10 : i32
    %mul3A_354 = vector.broadcast %mul3A_353 : i32 to vector<16xi32>
    %mul3A_355 = arith.muli %select_n3A_323, %mul3A_354 : vector<16xi32>
    %add3A_356 = arith.constant 5120 : i32
    %add3A_357 = vector.broadcast %add3A_356 : i32 to vector<16xi32>
    %add3A_358 = arith.addi %add3A_357, %mul3A_355 : vector<16xi32>
    %sub3A_359 = arith.constant 10 : i32
    %sub3A_360 = vector.broadcast %sub3A_359 : i32 to vector<16xi32>
    %sub3A_361 = arith.subi %select_n3A_345, %sub3A_360 : vector<16xi32>
    %add3A_362 = arith.addi %add3A_358, %sub3A_361 : vector<16xi32>
    %select_n3A_363 = arith.select %lt3A_348, %add3A_352, %add3A_362 : vector<16xi1>, vector<16xi32>
    %mul3A_364 = arith.constant 25600 : i32
    %mul3A_365 = arith.muli %add3A, %mul3A_364 : i32
    %add3A_366 = arith.constant 0 : i32
    %add3A_367 = arith.addi %mul3A_365, %add3A_366 : i32
    %mul3A_368 = arith.constant 10 : i32
    %mul3A_369 = arith.muli %add3A_367, %mul3A_368 : i32
    %multiple_of3A = tpu.assume_multiple %mul3A_369, 8 : i32
    "tpu.region"() ({
      %run_scoped3A = tpu.sem_alloc : memref<!tpu.dma_semaphore, #tpu.memory_space<semaphore_mem>>
      %dma_start3A_376 = arith.constant 0 : i32
      %dma_start3A_377 = tpu.memref_slice %arg7[%dma_start3A_376] : memref<10240xi32, #tpu.memory_space<vmem>> -> memref<5120xi32, #tpu.memory_space<vmem>>
      %dma_start3A_378 = tpu.memref_slice %arg3[%multiple_of3A] : memref<8192000xi32, #tpu.memory_space<hbm>> -> memref<5120xi32, #tpu.memory_space<hbm>>
      %dma_start3A_379 = arith.constant 0 : i32
      %dma_start3A_380 = tpu.memref_slice %arg7[%dma_start3A_379] : memref<10240xi32, #tpu.memory_space<vmem>> -> memref<5120xi32, #tpu.memory_space<vmem>>
      %dma_start3A_381 = tpu.memref_slice %arg3[%multiple_of3A] : memref<8192000xi32, #tpu.memory_space<hbm>> -> memref<5120xi32, #tpu.memory_space<hbm>>
      tpu.enqueue_dma source(%dma_start3A_381 : memref<5120xi32, #tpu.memory_space<hbm>>) target(%dma_start3A_380 : memref<5120xi32, #tpu.memory_space<vmem>>) target_semaphore(%run_scoped3A : memref<!tpu.dma_semaphore, #tpu.memory_space<semaphore_mem>>)
      %dma_wait3A = arith.constant 0 : i32
      %dma_wait3A_382 = tpu.memref_slice %arg7[%dma_wait3A] : memref<10240xi32, #tpu.memory_space<vmem>> -> memref<5120xi32, #tpu.memory_space<vmem>>
      %dma_wait3A_383 = tpu.memref_slice %arg3[%multiple_of3A] : memref<8192000xi32, #tpu.memory_space<hbm>> -> memref<5120xi32, #tpu.memory_space<hbm>>
      %dma_wait3A_384 = arith.constant 0 : i32
      %dma_wait3A_385 = tpu.memref_slice %arg7[%dma_wait3A_384] : memref<10240xi32, #tpu.memory_space<vmem>> -> memref<5120xi32, #tpu.memory_space<vmem>>
      %dma_wait3A_386 = tpu.memref_slice %arg3[%multiple_of3A] : memref<8192000xi32, #tpu.memory_space<hbm>> -> memref<5120xi32, #tpu.memory_space<hbm>>
      tpu.wait_dma2 semaphore(%run_scoped3A : memref<!tpu.dma_semaphore, #tpu.memory_space<semaphore_mem>>) src(%dma_wait3A_386 : memref<5120xi32, #tpu.memory_space<hbm>>) dst(%dma_wait3A_385 : memref<5120xi32, #tpu.memory_space<vmem>>)
      tpu.yield
    }) : () -> ()
    "tpu.region"() ({
      %run_scoped3A = tpu.sem_alloc : memref<!tpu.dma_semaphore, #tpu.memory_space<semaphore_mem>>
      %dma_start3A_376 = arith.constant 5120 : i32
      %dma_start3A_377 = tpu.memref_slice %arg7[%dma_start3A_376] : memref<10240xi32, #tpu.memory_space<vmem>> -> memref<5120xi32, #tpu.memory_space<vmem>>
      %dma_start3A_378 = tpu.memref_slice %arg4[%multiple_of3A] : memref<8192000xi32, #tpu.memory_space<hbm>> -> memref<5120xi32, #tpu.memory_space<hbm>>
      %dma_start3A_379 = arith.constant 5120 : i32
      %dma_start3A_380 = tpu.memref_slice %arg7[%dma_start3A_379] : memref<10240xi32, #tpu.memory_space<vmem>> -> memref<5120xi32, #tpu.memory_space<vmem>>
      %dma_start3A_381 = tpu.memref_slice %arg4[%multiple_of3A] : memref<8192000xi32, #tpu.memory_space<hbm>> -> memref<5120xi32, #tpu.memory_space<hbm>>
      tpu.enqueue_dma source(%dma_start3A_381 : memref<5120xi32, #tpu.memory_space<hbm>>) target(%dma_start3A_380 : memref<5120xi32, #tpu.memory_space<vmem>>) target_semaphore(%run_scoped3A : memref<!tpu.dma_semaphore, #tpu.memory_space<semaphore_mem>>)
      %dma_wait3A = arith.constant 5120 : i32
      %dma_wait3A_382 = tpu.memref_slice %arg7[%dma_wait3A] : memref<10240xi32, #tpu.memory_space<vmem>> -> memref<5120xi32, #tpu.memory_space<vmem>>
      %dma_wait3A_383 = tpu.memref_slice %arg4[%multiple_of3A] : memref<8192000xi32, #tpu.memory_space<hbm>> -> memref<5120xi32, #tpu.memory_space<hbm>>
      %dma_wait3A_384 = arith.constant 5120 : i32
      %dma_wait3A_385 = tpu.memref_slice %arg7[%dma_wait3A_384] : memref<10240xi32, #tpu.memory_space<vmem>> -> memref<5120xi32, #tpu.memory_space<vmem>>
      %dma_wait3A_386 = tpu.memref_slice %arg4[%multiple_of3A] : memref<8192000xi32, #tpu.memory_space<hbm>> -> memref<5120xi32, #tpu.memory_space<hbm>>
      tpu.wait_dma2 semaphore(%run_scoped3A : memref<!tpu.dma_semaphore, #tpu.memory_space<semaphore_mem>>) src(%dma_wait3A_386 : memref<5120xi32, #tpu.memory_space<hbm>>) dst(%dma_wait3A_385 : memref<5120xi32, #tpu.memory_space<vmem>>)
      tpu.yield
    }) : () -> ()
    %dma_start3A = arith.constant 0 : i32
    %dma_start3A_370 = tpu.memref_slice %arg6[%dma_start3A] : memref<1000000xf32, #tpu.memory_space<vmem_shared>> -> memref<1000000xf32, #tpu.memory_space<vmem_shared>>
    tpu.enqueue_indirect_dma source(%dma_start3A_370 : memref<1000000xf32, #tpu.memory_space<vmem_shared>>) target(%arg9 : memref<10240xf32, #tpu.memory_space<vmem>>) offsets(%arg7 : memref<10240xi32, #tpu.memory_space<vmem>>) semaphore(%arg12 : memref<!tpu.dma_semaphore, #tpu.memory_space<semaphore_mem>>)
    %scan3A = arith.constant 0 : i32
    %scan3A_371 = arith.constant 0 : i32
    %scan3A_372 = arith.constant 25 : i32
    %scan3A_373 = arith.addi %scan3A_371, %scan3A_372 : i32
    %scan3A_374 = arith.constant 1 : i32
    scf.for %scan3A_376 = %scan3A_371 to %scan3A_373 step %scan3A_374  : i32 {
      %mul3A_377 = arith.constant 2 : i32
      %mul3A_378 = arith.muli %mul3A_377, %scan3A_376 : i32
      %dma_wait3A = arith.constant 0 : i32
      %dma_wait3A_379 = tpu.memref_slice %arg6[%dma_wait3A] : memref<1000000xf32, #tpu.memory_space<vmem_shared>> -> memref<1000000xf32, #tpu.memory_space<vmem_shared>>
      tpu.wait_indirect_dma semaphore(%arg12 : memref<!tpu.dma_semaphore, #tpu.memory_space<semaphore_mem>>) src(%dma_wait3A_379 : memref<1000000xf32, #tpu.memory_space<vmem_shared>>) dst(%arg9 : memref<10240xf32, #tpu.memory_space<vmem>>)
      %add3A_380 = arith.constant 1 : i32
      %add3A_381 = arith.addi %mul3A_378, %add3A_380 : i32
      %lt3A_382 = arith.constant 50 : i32
      %lt3A_383 = arith.cmpi slt, %add3A_381, %lt3A_382 : i32
      %convert_element_type3A_384 = arith.extui %lt3A_383 : i1 to i32
      %cond3A_385 = arith.constant 0 : i32
      %cond3A_386 = arith.cmpi ne, %convert_element_type3A_384, %cond3A_385 : i32
      scf.if %cond3A_386 {
        %add3A_432 = arith.constant 1 : i32
        %add3A_433 = arith.addi %mul3A_378, %add3A_432 : i32
        %mul3A_434 = arith.constant 25600 : i32
        %mul3A_435 = arith.muli %add3A, %mul3A_434 : i32
        %mul3A_436 = arith.constant 512 : i32
        %mul3A_437 = arith.muli %add3A_433, %mul3A_436 : i32
        %add3A_438 = arith.addi %mul3A_435, %mul3A_437 : i32
        %mul3A_439 = arith.constant 10 : i32
        %mul3A_440 = arith.muli %add3A_438, %mul3A_439 : i32
        %multiple_of3A_441 = tpu.assume_multiple %mul3A_440, 8 : i32
        "tpu.region"() ({
          %run_scoped3A = tpu.sem_alloc : memref<!tpu.dma_semaphore, #tpu.memory_space<semaphore_mem>>
          %dma_start3A_444 = arith.constant 0 : i32
          %dma_start3A_445 = tpu.memref_slice %arg8[%dma_start3A_444] : memref<10240xi32, #tpu.memory_space<vmem>> -> memref<5120xi32, #tpu.memory_space<vmem>>
          %dma_start3A_446 = tpu.memref_slice %arg3[%multiple_of3A_441] : memref<8192000xi32, #tpu.memory_space<hbm>> -> memref<5120xi32, #tpu.memory_space<hbm>>
          %dma_start3A_447 = arith.constant 0 : i32
          %dma_start3A_448 = tpu.memref_slice %arg8[%dma_start3A_447] : memref<10240xi32, #tpu.memory_space<vmem>> -> memref<5120xi32, #tpu.memory_space<vmem>>
          %dma_start3A_449 = tpu.memref_slice %arg3[%multiple_of3A_441] : memref<8192000xi32, #tpu.memory_space<hbm>> -> memref<5120xi32, #tpu.memory_space<hbm>>
          tpu.enqueue_dma source(%dma_start3A_449 : memref<5120xi32, #tpu.memory_space<hbm>>) target(%dma_start3A_448 : memref<5120xi32, #tpu.memory_space<vmem>>) target_semaphore(%run_scoped3A : memref<!tpu.dma_semaphore, #tpu.memory_space<semaphore_mem>>)
          %dma_wait3A_450 = arith.constant 0 : i32
          %dma_wait3A_451 = tpu.memref_slice %arg8[%dma_wait3A_450] : memref<10240xi32, #tpu.memory_space<vmem>> -> memref<5120xi32, #tpu.memory_space<vmem>>
          %dma_wait3A_452 = tpu.memref_slice %arg3[%multiple_of3A_441] : memref<8192000xi32, #tpu.memory_space<hbm>> -> memref<5120xi32, #tpu.memory_space<hbm>>
          %dma_wait3A_453 = arith.constant 0 : i32
          %dma_wait3A_454 = tpu.memref_slice %arg8[%dma_wait3A_453] : memref<10240xi32, #tpu.memory_space<vmem>> -> memref<5120xi32, #tpu.memory_space<vmem>>
          %dma_wait3A_455 = tpu.memref_slice %arg3[%multiple_of3A_441] : memref<8192000xi32, #tpu.memory_space<hbm>> -> memref<5120xi32, #tpu.memory_space<hbm>>
          tpu.wait_dma2 semaphore(%run_scoped3A : memref<!tpu.dma_semaphore, #tpu.memory_space<semaphore_mem>>) src(%dma_wait3A_455 : memref<5120xi32, #tpu.memory_space<hbm>>) dst(%dma_wait3A_454 : memref<5120xi32, #tpu.memory_space<vmem>>)
          tpu.yield
        }) : () -> ()
        "tpu.region"() ({
          %run_scoped3A = tpu.sem_alloc : memref<!tpu.dma_semaphore, #tpu.memory_space<semaphore_mem>>
          %dma_start3A_444 = arith.constant 5120 : i32
          %dma_start3A_445 = tpu.memref_slice %arg8[%dma_start3A_444] : memref<10240xi32, #tpu.memory_space<vmem>> -> memref<5120xi32, #tpu.memory_space<vmem>>
          %dma_start3A_446 = tpu.memref_slice %arg4[%multiple_of3A_441] : memref<8192000xi32, #tpu.memory_space<hbm>> -> memref<5120xi32, #tpu.memory_space<hbm>>
          %dma_start3A_447 = arith.constant 5120 : i32
          %dma_start3A_448 = tpu.memref_slice %arg8[%dma_start3A_447] : memref<10240xi32, #tpu.memory_space<vmem>> -> memref<5120xi32, #tpu.memory_space<vmem>>
          %dma_start3A_449 = tpu.memref_slice %arg4[%multiple_of3A_441] : memref<8192000xi32, #tpu.memory_space<hbm>> -> memref<5120xi32, #tpu.memory_space<hbm>>
          tpu.enqueue_dma source(%dma_start3A_449 : memref<5120xi32, #tpu.memory_space<hbm>>) target(%dma_start3A_448 : memref<5120xi32, #tpu.memory_space<vmem>>) target_semaphore(%run_scoped3A : memref<!tpu.dma_semaphore, #tpu.memory_space<semaphore_mem>>)
          %dma_wait3A_450 = arith.constant 5120 : i32
          %dma_wait3A_451 = tpu.memref_slice %arg8[%dma_wait3A_450] : memref<10240xi32, #tpu.memory_space<vmem>> -> memref<5120xi32, #tpu.memory_space<vmem>>
          %dma_wait3A_452 = tpu.memref_slice %arg4[%multiple_of3A_441] : memref<8192000xi32, #tpu.memory_space<hbm>> -> memref<5120xi32, #tpu.memory_space<hbm>>
          %dma_wait3A_453 = arith.constant 5120 : i32
          %dma_wait3A_454 = tpu.memref_slice %arg8[%dma_wait3A_453] : memref<10240xi32, #tpu.memory_space<vmem>> -> memref<5120xi32, #tpu.memory_space<vmem>>
          %dma_wait3A_455 = tpu.memref_slice %arg4[%multiple_of3A_441] : memref<8192000xi32, #tpu.memory_space<hbm>> -> memref<5120xi32, #tpu.memory_space<hbm>>
          tpu.wait_dma2 semaphore(%run_scoped3A : memref<!tpu.dma_semaphore, #tpu.memory_space<semaphore_mem>>) src(%dma_wait3A_455 : memref<5120xi32, #tpu.memory_space<hbm>>) dst(%dma_wait3A_454 : memref<5120xi32, #tpu.memory_space<vmem>>)
          tpu.yield
        }) : () -> ()
        %dma_start3A_442 = arith.constant 0 : i32
        %dma_start3A_443 = tpu.memref_slice %arg6[%dma_start3A_442] : memref<1000000xf32, #tpu.memory_space<vmem_shared>> -> memref<1000000xf32, #tpu.memory_space<vmem_shared>>
        tpu.enqueue_indirect_dma source(%dma_start3A_443 : memref<1000000xf32, #tpu.memory_space<vmem_shared>>) target(%arg10 : memref<10240xf32, #tpu.memory_space<vmem>>) offsets(%arg8 : memref<10240xi32, #tpu.memory_space<vmem>>) semaphore(%arg13 : memref<!tpu.dma_semaphore, #tpu.memory_space<semaphore_mem>>)
      } else {
      }
      %scan3A_387 = arith.constant 0 : i32
      %scan3A_388 = arith.constant 0 : i32
      %scan3A_389 = arith.constant 128 : i32
      %scan3A_390 = arith.addi %scan3A_388, %scan3A_389 : i32
      %scan3A_391 = arith.constant 1 : i32
      scf.for %scan3A_432 = %scan3A_388 to %scan3A_390 step %scan3A_391  : i32 {
        %mul3A_433 = arith.constant 40 : i32
        %mul3A_434 = arith.muli %scan3A_432, %mul3A_433 : i32
        %add3A_435 = vector.broadcast %mul3A_434 : i32 to vector<16xi32>
        %add3A_436 = arith.addi %select_n3A_67, %add3A_435 : vector<16xi32>
        %gather3A = tpu.vector_load_idx %arg9[%add3A_436] : memref<10240xf32, #tpu.memory_space<vmem>>[vector<16xi32>], vector<16xf32>,
        %mul3A_437 = arith.constant 80 : i32
        %mul3A_438 = arith.muli %scan3A_432, %mul3A_437 : i32
        %add3A_439 = arith.constant 0 : i32
        %add3A_440 = arith.addi %mul3A_438, %add3A_439 : i32
        %swap3A = arith.index_cast %add3A_440 : i32 to index
        %swap3A_441 = tpu.vector_load %arg11[%swap3A] {strides = array<i32>} : memref<10240xf32, #tpu.memory_space<vmem>>, vector<16xf32>,
        tpu.vector_store %arg11[%swap3A], %gather3A {strides = array<i32>} : memref<10240xf32, #tpu.memory_space<vmem>>, vector<16xf32>,
        %add3A_442 = vector.broadcast %mul3A_434 : i32 to vector<16xi32>
        %add3A_443 = arith.addi %select_n3A_141, %add3A_442 : vector<16xi32>
        %gather3A_444 = tpu.vector_load_idx %arg9[%add3A_443] : memref<10240xf32, #tpu.memory_space<vmem>>[vector<16xi32>], vector<16xf32>,
        %mul3A_445 = arith.constant 80 : i32
        %mul3A_446 = arith.muli %scan3A_432, %mul3A_445 : i32
        %add3A_447 = arith.constant 16 : i32
        %add3A_448 = arith.addi %mul3A_446, %add3A_447 : i32
        %swap3A_449 = arith.index_cast %add3A_448 : i32 to index
        %swap3A_450 = tpu.vector_load %arg11[%swap3A_449] {strides = array<i32>} : memref<10240xf32, #tpu.memory_space<vmem>>, vector<16xf32>,
        tpu.vector_store %arg11[%swap3A_449], %gather3A_444 {strides = array<i32>} : memref<10240xf32, #tpu.memory_space<vmem>>, vector<16xf32>,
        %add3A_451 = vector.broadcast %mul3A_434 : i32 to vector<16xi32>
        %add3A_452 = arith.addi %select_n3A_215, %add3A_451 : vector<16xi32>
        %gather3A_453 = tpu.vector_load_idx %arg9[%add3A_452] : memref<10240xf32, #tpu.memory_space<vmem>>[vector<16xi32>], vector<16xf32>,
        %mul3A_454 = arith.constant 80 : i32
        %mul3A_455 = arith.muli %scan3A_432, %mul3A_454 : i32
        %add3A_456 = arith.constant 32 : i32
        %add3A_457 = arith.addi %mul3A_455, %add3A_456 : i32
        %swap3A_458 = arith.index_cast %add3A_457 : i32 to index
        %swap3A_459 = tpu.vector_load %arg11[%swap3A_458] {strides = array<i32>} : memref<10240xf32, #tpu.memory_space<vmem>>, vector<16xf32>,
        tpu.vector_store %arg11[%swap3A_458], %gather3A_453 {strides = array<i32>} : memref<10240xf32, #tpu.memory_space<vmem>>, vector<16xf32>,
        %add3A_460 = vector.broadcast %mul3A_434 : i32 to vector<16xi32>
        %add3A_461 = arith.addi %select_n3A_289, %add3A_460 : vector<16xi32>
        %gather3A_462 = tpu.vector_load_idx %arg9[%add3A_461] : memref<10240xf32, #tpu.memory_space<vmem>>[vector<16xi32>], vector<16xf32>,
        %mul3A_463 = arith.constant 80 : i32
        %mul3A_464 = arith.muli %scan3A_432, %mul3A_463 : i32
        %add3A_465 = arith.constant 48 : i32
        %add3A_466 = arith.addi %mul3A_464, %add3A_465 : i32
        %swap3A_467 = arith.index_cast %add3A_466 : i32 to index
        %swap3A_468 = tpu.vector_load %arg11[%swap3A_467] {strides = array<i32>} : memref<10240xf32, #tpu.memory_space<vmem>>, vector<16xf32>,
        tpu.vector_store %arg11[%swap3A_467], %gather3A_462 {strides = array<i32>} : memref<10240xf32, #tpu.memory_space<vmem>>, vector<16xf32>,
        %add3A_469 = vector.broadcast %mul3A_434 : i32 to vector<16xi32>
        %add3A_470 = arith.addi %select_n3A_363, %add3A_469 : vector<16xi32>
        %gather3A_471 = tpu.vector_load_idx %arg9[%add3A_470] : memref<10240xf32, #tpu.memory_space<vmem>>[vector<16xi32>], vector<16xf32>,
        %mul3A_472 = arith.constant 80 : i32
        %mul3A_473 = arith.muli %scan3A_432, %mul3A_472 : i32
        %add3A_474 = arith.constant 64 : i32
        %add3A_475 = arith.addi %mul3A_473, %add3A_474 : i32
        %swap3A_476 = arith.index_cast %add3A_475 : i32 to index
        %swap3A_477 = tpu.vector_load %arg11[%swap3A_476] {strides = array<i32>} : memref<10240xf32, #tpu.memory_space<vmem>>, vector<16xf32>,
        tpu.vector_store %arg11[%swap3A_476], %gather3A_471 {strides = array<i32>} : memref<10240xf32, #tpu.memory_space<vmem>>, vector<16xf32>,
      }
      %scan3A_392 = arith.constant 128 : i32
      %mul3A_393 = arith.constant 25600 : i32
      %mul3A_394 = arith.muli %add3A, %mul3A_393 : i32
      %mul3A_395 = arith.constant 512 : i32
      %mul3A_396 = arith.muli %mul3A_378, %mul3A_395 : i32
      %add3A_397 = arith.addi %mul3A_394, %mul3A_396 : i32
      %mul3A_398 = arith.constant 2 : i32
      %mul3A_399 = arith.muli %add3A_397, %mul3A_398 : i32
      %mul3A_400 = arith.constant 10 : i32
      %mul3A_401 = arith.muli %mul3A_399, %mul3A_400 : i32
      %multiple_of3A_402 = tpu.assume_multiple %mul3A_401, 8 : i32
      "tpu.region"() ({
        %run_scoped3A = tpu.sem_alloc : memref<!tpu.dma_semaphore, #tpu.memory_space<semaphore_mem>>
        %dma_start3A_432 = tpu.memref_slice %arg5[%multiple_of3A_402] : memref<16384000xf32, #tpu.memory_space<hbm>> -> memref<10240xf32, #tpu.memory_space<hbm>>
        %dma_start3A_433 = tpu.memref_slice %arg5[%multiple_of3A_402] : memref<16384000xf32, #tpu.memory_space<hbm>> -> memref<10240xf32, #tpu.memory_space<hbm>>
        tpu.enqueue_dma source(%arg11 : memref<10240xf32, #tpu.memory_space<vmem>>) target(%dma_start3A_433 : memref<10240xf32, #tpu.memory_space<hbm>>) target_semaphore(%run_scoped3A : memref<!tpu.dma_semaphore, #tpu.memory_space<semaphore_mem>>)
        %dma_wait3A_434 = tpu.memref_slice %arg5[%multiple_of3A_402] : memref<16384000xf32, #tpu.memory_space<hbm>> -> memref<10240xf32, #tpu.memory_space<hbm>>
        %dma_wait3A_435 = tpu.memref_slice %arg5[%multiple_of3A_402] : memref<16384000xf32, #tpu.memory_space<hbm>> -> memref<10240xf32, #tpu.memory_space<hbm>>
        tpu.wait_dma2 semaphore(%run_scoped3A : memref<!tpu.dma_semaphore, #tpu.memory_space<semaphore_mem>>) src(%arg11 : memref<10240xf32, #tpu.memory_space<vmem>>) dst(%dma_wait3A_435 : memref<10240xf32, #tpu.memory_space<hbm>>)
        tpu.yield
      }) : () -> ()
      %mul3A_403 = arith.constant 2 : i32
      %mul3A_404 = arith.muli %mul3A_403, %scan3A_376 : i32
      %add3A_405 = arith.constant 1 : i32
      %add3A_406 = arith.addi %mul3A_404, %add3A_405 : i32
      %dma_wait3A_407 = arith.constant 0 : i32
      %dma_wait3A_408 = tpu.memref_slice %arg6[%dma_wait3A_407] : memref<1000000xf32, #tpu.memory_space<vmem_shared>> -> memref<1000000xf32, #tpu.memory_space<vmem_shared>>
      tpu.wait_indirect_dma semaphore(%arg13 : memref<!tpu.dma_semaphore, #tpu.memory_space<semaphore_mem>>) src(%dma_wait3A_408 : memref<1000000xf32, #tpu.memory_space<vmem_shared>>) dst(%arg10 : memref<10240xf32, #tpu.memory_space<vmem>>)
      %add3A_409 = arith.constant 1 : i32
      %add3A_410 = arith.addi %add3A_406, %add3A_409 : i32
      %lt3A_411 = arith.constant 50 : i32
      %lt3A_412 = arith.cmpi slt, %add3A_410, %lt3A_411 : i32
      %convert_element_type3A_413 = arith.extui %lt3A_412 : i1 to i32
      %cond3A_414 = arith.constant 0 : i32
      %cond3A_415 = arith.cmpi ne, %convert_element_type3A_413, %cond3A_414 : i32
      scf.if %cond3A_415 {
        %add3A_432 = arith.constant 1 : i32
        %add3A_433 = arith.addi %add3A_406, %add3A_432 : i32
        %mul3A_434 = arith.constant 25600 : i32
        %mul3A_435 = arith.muli %add3A, %mul3A_434 : i32
        %mul3A_436 = arith.constant 512 : i32
        %mul3A_437 = arith.muli %add3A_433, %mul3A_436 : i32
        %add3A_438 = arith.addi %mul3A_435, %mul3A_437 : i32
        %mul3A_439 = arith.constant 10 : i32
        %mul3A_440 = arith.muli %add3A_438, %mul3A_439 : i32
        %multiple_of3A_441 = tpu.assume_multiple %mul3A_440, 8 : i32
        "tpu.region"() ({
          %run_scoped3A = tpu.sem_alloc : memref<!tpu.dma_semaphore, #tpu.memory_space<semaphore_mem>>
          %dma_start3A_444 = arith.constant 0 : i32
          %dma_start3A_445 = tpu.memref_slice %arg7[%dma_start3A_444] : memref<10240xi32, #tpu.memory_space<vmem>> -> memref<5120xi32, #tpu.memory_space<vmem>>
          %dma_start3A_446 = tpu.memref_slice %arg3[%multiple_of3A_441] : memref<8192000xi32, #tpu.memory_space<hbm>> -> memref<5120xi32, #tpu.memory_space<hbm>>
          %dma_start3A_447 = arith.constant 0 : i32
          %dma_start3A_448 = tpu.memref_slice %arg7[%dma_start3A_447] : memref<10240xi32, #tpu.memory_space<vmem>> -> memref<5120xi32, #tpu.memory_space<vmem>>
          %dma_start3A_449 = tpu.memref_slice %arg3[%multiple_of3A_441] : memref<8192000xi32, #tpu.memory_space<hbm>> -> memref<5120xi32, #tpu.memory_space<hbm>>
          tpu.enqueue_dma source(%dma_start3A_449 : memref<5120xi32, #tpu.memory_space<hbm>>) target(%dma_start3A_448 : memref<5120xi32, #tpu.memory_space<vmem>>) target_semaphore(%run_scoped3A : memref<!tpu.dma_semaphore, #tpu.memory_space<semaphore_mem>>)
          %dma_wait3A_450 = arith.constant 0 : i32
          %dma_wait3A_451 = tpu.memref_slice %arg7[%dma_wait3A_450] : memref<10240xi32, #tpu.memory_space<vmem>> -> memref<5120xi32, #tpu.memory_space<vmem>>
          %dma_wait3A_452 = tpu.memref_slice %arg3[%multiple_of3A_441] : memref<8192000xi32, #tpu.memory_space<hbm>> -> memref<5120xi32, #tpu.memory_space<hbm>>
          %dma_wait3A_453 = arith.constant 0 : i32
          %dma_wait3A_454 = tpu.memref_slice %arg7[%dma_wait3A_453] : memref<10240xi32, #tpu.memory_space<vmem>> -> memref<5120xi32, #tpu.memory_space<vmem>>
          %dma_wait3A_455 = tpu.memref_slice %arg3[%multiple_of3A_441] : memref<8192000xi32, #tpu.memory_space<hbm>> -> memref<5120xi32, #tpu.memory_space<hbm>>
          tpu.wait_dma2 semaphore(%run_scoped3A : memref<!tpu.dma_semaphore, #tpu.memory_space<semaphore_mem>>) src(%dma_wait3A_455 : memref<5120xi32, #tpu.memory_space<hbm>>) dst(%dma_wait3A_454 : memref<5120xi32, #tpu.memory_space<vmem>>)
          tpu.yield
        }) : () -> ()
        "tpu.region"() ({
          %run_scoped3A = tpu.sem_alloc : memref<!tpu.dma_semaphore, #tpu.memory_space<semaphore_mem>>
          %dma_start3A_444 = arith.constant 5120 : i32
          %dma_start3A_445 = tpu.memref_slice %arg7[%dma_start3A_444] : memref<10240xi32, #tpu.memory_space<vmem>> -> memref<5120xi32, #tpu.memory_space<vmem>>
          %dma_start3A_446 = tpu.memref_slice %arg4[%multiple_of3A_441] : memref<8192000xi32, #tpu.memory_space<hbm>> -> memref<5120xi32, #tpu.memory_space<hbm>>
          %dma_start3A_447 = arith.constant 5120 : i32
          %dma_start3A_448 = tpu.memref_slice %arg7[%dma_start3A_447] : memref<10240xi32, #tpu.memory_space<vmem>> -> memref<5120xi32, #tpu.memory_space<vmem>>
          %dma_start3A_449 = tpu.memref_slice %arg4[%multiple_of3A_441] : memref<8192000xi32, #tpu.memory_space<hbm>> -> memref<5120xi32, #tpu.memory_space<hbm>>
          tpu.enqueue_dma source(%dma_start3A_449 : memref<5120xi32, #tpu.memory_space<hbm>>) target(%dma_start3A_448 : memref<5120xi32, #tpu.memory_space<vmem>>) target_semaphore(%run_scoped3A : memref<!tpu.dma_semaphore, #tpu.memory_space<semaphore_mem>>)
          %dma_wait3A_450 = arith.constant 5120 : i32
          %dma_wait3A_451 = tpu.memref_slice %arg7[%dma_wait3A_450] : memref<10240xi32, #tpu.memory_space<vmem>> -> memref<5120xi32, #tpu.memory_space<vmem>>
          %dma_wait3A_452 = tpu.memref_slice %arg4[%multiple_of3A_441] : memref<8192000xi32, #tpu.memory_space<hbm>> -> memref<5120xi32, #tpu.memory_space<hbm>>
          %dma_wait3A_453 = arith.constant 5120 : i32
          %dma_wait3A_454 = tpu.memref_slice %arg7[%dma_wait3A_453] : memref<10240xi32, #tpu.memory_space<vmem>> -> memref<5120xi32, #tpu.memory_space<vmem>>
          %dma_wait3A_455 = tpu.memref_slice %arg4[%multiple_of3A_441] : memref<8192000xi32, #tpu.memory_space<hbm>> -> memref<5120xi32, #tpu.memory_space<hbm>>
          tpu.wait_dma2 semaphore(%run_scoped3A : memref<!tpu.dma_semaphore, #tpu.memory_space<semaphore_mem>>) src(%dma_wait3A_455 : memref<5120xi32, #tpu.memory_space<hbm>>) dst(%dma_wait3A_454 : memref<5120xi32, #tpu.memory_space<vmem>>)
          tpu.yield
        }) : () -> ()
        %dma_start3A_442 = arith.constant 0 : i32
        %dma_start3A_443 = tpu.memref_slice %arg6[%dma_start3A_442] : memref<1000000xf32, #tpu.memory_space<vmem_shared>> -> memref<1000000xf32, #tpu.memory_space<vmem_shared>>
        tpu.enqueue_indirect_dma source(%dma_start3A_443 : memref<1000000xf32, #tpu.memory_space<vmem_shared>>) target(%arg9 : memref<10240xf32, #tpu.memory_space<vmem>>) offsets(%arg7 : memref<10240xi32, #tpu.memory_space<vmem>>) semaphore(%arg12 : memref<!tpu.dma_semaphore, #tpu.memory_space<semaphore_mem>>)
      } else {
      }
      %scan3A_416 = arith.constant 0 : i32
      %scan3A_417 = arith.constant 0 : i32
      %scan3A_418 = arith.constant 128 : i32
      %scan3A_419 = arith.addi %scan3A_417, %scan3A_418 : i32
      %scan3A_420 = arith.constant 1 : i32
      scf.for %scan3A_432 = %scan3A_417 to %scan3A_419 step %scan3A_420  : i32 {
        %mul3A_433 = arith.constant 40 : i32
        %mul3A_434 = arith.muli %scan3A_432, %mul3A_433 : i32
        %add3A_435 = vector.broadcast %mul3A_434 : i32 to vector<16xi32>
        %add3A_436 = arith.addi %select_n3A_67, %add3A_435 : vector<16xi32>
        %gather3A = tpu.vector_load_idx %arg10[%add3A_436] : memref<10240xf32, #tpu.memory_space<vmem>>[vector<16xi32>], vector<16xf32>,
        %mul3A_437 = arith.constant 80 : i32
        %mul3A_438 = arith.muli %scan3A_432, %mul3A_437 : i32
        %add3A_439 = arith.constant 0 : i32
        %add3A_440 = arith.addi %mul3A_438, %add3A_439 : i32
        %swap3A = arith.index_cast %add3A_440 : i32 to index
        %swap3A_441 = tpu.vector_load %arg11[%swap3A] {strides = array<i32>} : memref<10240xf32, #tpu.memory_space<vmem>>, vector<16xf32>,
        tpu.vector_store %arg11[%swap3A], %gather3A {strides = array<i32>} : memref<10240xf32, #tpu.memory_space<vmem>>, vector<16xf32>,
        %add3A_442 = vector.broadcast %mul3A_434 : i32 to vector<16xi32>
        %add3A_443 = arith.addi %select_n3A_141, %add3A_442 : vector<16xi32>
        %gather3A_444 = tpu.vector_load_idx %arg10[%add3A_443] : memref<10240xf32, #tpu.memory_space<vmem>>[vector<16xi32>], vector<16xf32>,
        %mul3A_445 = arith.constant 80 : i32
        %mul3A_446 = arith.muli %scan3A_432, %mul3A_445 : i32
        %add3A_447 = arith.constant 16 : i32
        %add3A_448 = arith.addi %mul3A_446, %add3A_447 : i32
        %swap3A_449 = arith.index_cast %add3A_448 : i32 to index
        %swap3A_450 = tpu.vector_load %arg11[%swap3A_449] {strides = array<i32>} : memref<10240xf32, #tpu.memory_space<vmem>>, vector<16xf32>,
        tpu.vector_store %arg11[%swap3A_449], %gather3A_444 {strides = array<i32>} : memref<10240xf32, #tpu.memory_space<vmem>>, vector<16xf32>,
        %add3A_451 = vector.broadcast %mul3A_434 : i32 to vector<16xi32>
        %add3A_452 = arith.addi %select_n3A_215, %add3A_451 : vector<16xi32>
        %gather3A_453 = tpu.vector_load_idx %arg10[%add3A_452] : memref<10240xf32, #tpu.memory_space<vmem>>[vector<16xi32>], vector<16xf32>,
        %mul3A_454 = arith.constant 80 : i32
        %mul3A_455 = arith.muli %scan3A_432, %mul3A_454 : i32
        %add3A_456 = arith.constant 32 : i32
        %add3A_457 = arith.addi %mul3A_455, %add3A_456 : i32
        %swap3A_458 = arith.index_cast %add3A_457 : i32 to index
        %swap3A_459 = tpu.vector_load %arg11[%swap3A_458] {strides = array<i32>} : memref<10240xf32, #tpu.memory_space<vmem>>, vector<16xf32>,
        tpu.vector_store %arg11[%swap3A_458], %gather3A_453 {strides = array<i32>} : memref<10240xf32, #tpu.memory_space<vmem>>, vector<16xf32>,
        %add3A_460 = vector.broadcast %mul3A_434 : i32 to vector<16xi32>
        %add3A_461 = arith.addi %select_n3A_289, %add3A_460 : vector<16xi32>
        %gather3A_462 = tpu.vector_load_idx %arg10[%add3A_461] : memref<10240xf32, #tpu.memory_space<vmem>>[vector<16xi32>], vector<16xf32>,
        %mul3A_463 = arith.constant 80 : i32
        %mul3A_464 = arith.muli %scan3A_432, %mul3A_463 : i32
        %add3A_465 = arith.constant 48 : i32
        %add3A_466 = arith.addi %mul3A_464, %add3A_465 : i32
        %swap3A_467 = arith.index_cast %add3A_466 : i32 to index
        %swap3A_468 = tpu.vector_load %arg11[%swap3A_467] {strides = array<i32>} : memref<10240xf32, #tpu.memory_space<vmem>>, vector<16xf32>,
        tpu.vector_store %arg11[%swap3A_467], %gather3A_462 {strides = array<i32>} : memref<10240xf32, #tpu.memory_space<vmem>>, vector<16xf32>,
        %add3A_469 = vector.broadcast %mul3A_434 : i32 to vector<16xi32>
        %add3A_470 = arith.addi %select_n3A_363, %add3A_469 : vector<16xi32>
        %gather3A_471 = tpu.vector_load_idx %arg10[%add3A_470] : memref<10240xf32, #tpu.memory_space<vmem>>[vector<16xi32>], vector<16xf32>,
        %mul3A_472 = arith.constant 80 : i32
        %mul3A_473 = arith.muli %scan3A_432, %mul3A_472 : i32
        %add3A_474 = arith.constant 64 : i32
        %add3A_475 = arith.addi %mul3A_473, %add3A_474 : i32
        %swap3A_476 = arith.index_cast %add3A_475 : i32 to index
        %swap3A_477 = tpu.vector_load %arg11[%swap3A_476] {strides = array<i32>} : memref<10240xf32, #tpu.memory_space<vmem>>, vector<16xf32>,
        tpu.vector_store %arg11[%swap3A_476], %gather3A_471 {strides = array<i32>} : memref<10240xf32, #tpu.memory_space<vmem>>, vector<16xf32>,
      }
      %scan3A_421 = arith.constant 128 : i32
      %mul3A_422 = arith.constant 25600 : i32
      %mul3A_423 = arith.muli %add3A, %mul3A_422 : i32
      %mul3A_424 = arith.constant 512 : i32
      %mul3A_425 = arith.muli %add3A_406, %mul3A_424 : i32
      %add3A_426 = arith.addi %mul3A_423, %mul3A_425 : i32
      %mul3A_427 = arith.constant 2 : i32
      %mul3A_428 = arith.muli %add3A_426, %mul3A_427 : i32
      %mul3A_429 = arith.constant 10 : i32
      %mul3A_430 = arith.muli %mul3A_428, %mul3A_429 : i32
      %multiple_of3A_431 = tpu.assume_multiple %mul3A_430, 8 : i32
      "tpu.region"() ({
        %run_scoped3A = tpu.sem_alloc : memref<!tpu.dma_semaphore, #tpu.memory_space<semaphore_mem>>
        %dma_start3A_432 = tpu.memref_slice %arg5[%multiple_of3A_431] : memref<16384000xf32, #tpu.memory_space<hbm>> -> memref<10240xf32, #tpu.memory_space<hbm>>
        %dma_start3A_433 = tpu.memref_slice %arg5[%multiple_of3A_431] : memref<16384000xf32, #tpu.memory_space<hbm>> -> memref<10240xf32, #tpu.memory_space<hbm>>
        tpu.enqueue_dma source(%arg11 : memref<10240xf32, #tpu.memory_space<vmem>>) target(%dma_start3A_433 : memref<10240xf32, #tpu.memory_space<hbm>>) target_semaphore(%run_scoped3A : memref<!tpu.dma_semaphore, #tpu.memory_space<semaphore_mem>>)
        %dma_wait3A_434 = tpu.memref_slice %arg5[%multiple_of3A_431] : memref<16384000xf32, #tpu.memory_space<hbm>> -> memref<10240xf32, #tpu.memory_space<hbm>>
        %dma_wait3A_435 = tpu.memref_slice %arg5[%multiple_of3A_431] : memref<16384000xf32, #tpu.memory_space<hbm>> -> memref<10240xf32, #tpu.memory_space<hbm>>
        tpu.wait_dma2 semaphore(%run_scoped3A : memref<!tpu.dma_semaphore, #tpu.memory_space<semaphore_mem>>) src(%arg11 : memref<10240xf32, #tpu.memory_space<vmem>>) dst(%dma_wait3A_435 : memref<10240xf32, #tpu.memory_space<hbm>>)
        tpu.yield
      }) : () -> ()
    }
    %scan3A_375 = arith.constant 25 : i32
    return
  }
}

module attributes {stable_mosaic.version = 14 : i64} {
  func.func @_fused_body(%arg0: i32, %arg1: memref<400x2048xf32, #tpu.memory_space<vmem>>, %arg2: memref<400x2048xf32, #tpu.memory_space<vmem>>, %arg3: memref<400x2048xf32, #tpu.memory_space<vmem>>) attributes {dimension_semantics = [#tpu.dimension_semantics<arbitrary>], iteration_bounds = array<i64: 20>, scalar_prefetch = 0 : i64, scratch_operands = 0 : i64, tpu.core_type = #tpu.core_type<tc>, window_params = [{transform_indices = @transform_0, window_bounds = array<i64: 400, 2048>}, {transform_indices = @transform_1, window_bounds = array<i64: 400, 2048>}, {transform_indices = @transform_2, window_bounds = array<i64: 400, 2048>}]} {
    %get3A = arith.constant 0 : index
    %get3A_0 = arith.constant 0 : index
    %get3A_1 = vector.load %arg1[%get3A, %get3A_0] : memref<400x2048xf32, #tpu.memory_space<vmem>>, vector<400x2048xf32>
    %get3A_2 = arith.constant 0 : index
    %get3A_3 = arith.constant 0 : index
    %get3A_4 = vector.load %arg2[%get3A_2, %get3A_3] : memref<400x2048xf32, #tpu.memory_space<vmem>>, vector<400x2048xf32>
    %neg3A = arith.constant 0.000000e+00 : f32
    %neg3A_5 = vector.broadcast %neg3A : f32 to vector<400x2048xf32>
    %neg3A_6 = arith.subf %neg3A_5, %get3A_1 : vector<400x2048xf32>
    %max3A = arith.constant 0.000000e+00 : f32
    %max3A_7 = vector.broadcast %max3A : f32 to vector<400x2048xf32>
    %max3A_8 = arith.maximumf %neg3A_6, %max3A_7 : vector<400x2048xf32>
    %abs3A = math.absf %get3A_1 : vector<400x2048xf32>
    %neg3A_9 = arith.constant 0.000000e+00 : f32
    %neg3A_10 = vector.broadcast %neg3A_9 : f32 to vector<400x2048xf32>
    %neg3A_11 = arith.subf %neg3A_10, %abs3A : vector<400x2048xf32>
    %exp3A = math.exp %neg3A_11 : vector<400x2048xf32>
    %log1p3A = math.log1p %exp3A : vector<400x2048xf32>
    %add3A = arith.addf %max3A_8, %log1p3A : vector<400x2048xf32>
    %mul3A = arith.mulf %get3A_4, %add3A : vector<400x2048xf32>
    %swap3A = arith.constant 0 : index
    %swap3A_12 = arith.constant 0 : index
    %swap3A_13 = vector.load %arg3[%swap3A, %swap3A_12] : memref<400x2048xf32, #tpu.memory_space<vmem>>, vector<400x2048xf32>
    tpu.vector_store %arg3[%swap3A, %swap3A_12], %mul3A {strides = array<i32>} : memref<400x2048xf32, #tpu.memory_space<vmem>>, vector<400x2048xf32>,
    return
  }
  func.func @transform_0(%arg0: i32) -> (i32, i32) {
    %c0_i32 = arith.constant 0 : i32
    %c0_i32_0 = arith.constant 0 : i32
    return %arg0, %c0_i32 : i32, i32
  }
  func.func @transform_1(%arg0: i32) -> (i32, i32) {
    %c0_i32 = arith.constant 0 : i32
    %c0_i32_0 = arith.constant 0 : i32
    return %arg0, %c0_i32 : i32, i32
  }
  func.func @transform_2(%arg0: i32) -> (i32, i32) {
    %c0_i32 = arith.constant 0 : i32
    %c0_i32_0 = arith.constant 0 : i32
    return %arg0, %c0_i32 : i32, i32
  }
}

</mosaic_0001>

<sc_bundles>
// kernel: kernel.4.cloned.1.call-start
scs
__scs_entry_jumppad:
0x0: {  	(pc) =	sbr.rel $0x88, $3  }
0x1: {  	(tag) =	ssettag $0x0;
	lr =	simm.s32 $0x1  }
0x2: {  	[smem:$0x3F9E] =	sst lr;
	_ =	strace $0xD0000000  }
0x3: {  	_ = 	snop  }
0x4: {  	_ = 	snop  }
0x5: {  	_ = 	snop  }
0x6: {  	_ = 	snop  }
0x7: {  	_ = 	snop  }
__scs_overlays_trampoline_lowered:
0x8: {  	[smem:$0x3FAD] =	sst s0  }
0x9: {  	[smem:$0x3FAE] =	sst s1  }
0xa: {  	[smem:$0x3FAF] =	sst s2  }
0xb: {  	[smem:$0x3FB0] =	sst s3  }
0xc: {  	[smem:$0x3FB1] =	sst s4  }
0xd: {  	[smem:$0x3FB2] =	sst s5  }
0xe: {  	[smem:$0x3FB3] =	sst s6  }
0xf: {  	[smem:$0x3FB4] =	sst s7  }
0x10: {  	[smem:$0x3FB5] =	sst s8  }
0x11: {  	[smem:$0x3FB6] =	sst s9;
	s0 =	simm.s32 @!p0 $0x0  }
0x12: {  	s1 =	sld [smem:$0x3F9C];
	s0 =	simm.s32 @p0 $0x1  }
0x13: {  	[smem:$0x3FB7] =	sst s0;
	s0 =	simm.s32 @!p1 $0x0  }
0x14: {  	s2 =	sld [smem:$0x3F9B];
	s0 =	simm.s32 @p1 $0x1  }
0x15: {  	[smem:$0x3FB8] =	sst s0;
	s0 =	simm.s32 @!p2 $0x0  }
0x16: {  	s3 =	sld [smem:$0x3FDB];
	s0 =	simm.s32 @p2 $0x1  }
0x17: {  	s4 =	simm.s32 $0x1BF5;
	[smem:$0x3FBA] =	sst s0  }
0x18: {  	s0 =	sld [smem:$0x3F9D];
	_ =	swait.ge [sflag:s4], $0x0  }
0x19: {  	s7 =	sld [smem:$0x3F9E]  }
0x1a: {  	s8 =	sadd.s32 $0xFFFFE003, lr  }
0x1b: {  	s9 =	sadd.s32 $0xFFFFFEF7, lr;
	s5 =	simm.s32 $0xFFFFFFFF;
	p2 =	slt.u32 s8, $0xFFFFF086  }
0x1c: {  	p1 =	slt.u32 s9, $0xF7A;
	s5 =	simm.s32 @!p2 $0x0  }
0x1d: {  	s5 =	simm.s32 @p1 $0x1;
	p0 =	seq.s32 s7, s2  }
0x1e: {  	s7 =	smul.u32 @!p0 $0xF7A, s2;
	p2 =	seq.s32 @!p0 s5, $0x0  }
0x1f: {  	s9 =	smul.u32 $0xF7A, s1;
	s8 =	simm.s32 @!p0 $0x1BF5;
	p2 =	por !p2, p0  }
0x20: {  	[sflag:s8] =	ssyncset.s32 @!p0 $0xFFFFF086;
	s6 =	sadd.s32 @!p0 s3, s7;
	s7 =	simm.s32 @!p0 $0x108  }
0x21: {  	s3 =	sadd.s32 s3, s9;
	s6 =	sadd.s32 @!p0 $0x88, s6;
	s7 =	simm.s32 @p2 $0x1082  }
0x22: {  	[simem:s7], [sflag:s8] =	dma.local @!p0 [hbm:s6], $0xF7A  }
0x23: {  	s9 =	sor.u32 $0xD0000000, s2;
	s6 =	simm.s32 $0x108;
	_ =	swait.ge @!p0 [sflag:s8], $0x0  }
0x24: {  	s3 =	sadd.s32 $0x88, s3;
	s6 =	simm.s32 @!p1 $0x1082;
	[sflag:s4] =	ssyncset.s32 $0xFFFFF086  }
0x25: {  	[simem:s6], [sflag:s4] =	dma.local [hbm:s3], $0xF7A  }
0x26: {  	[smem:$0x3F9E] =	sst s1;
	(tag) =	ssettag s2;
	_ =	strace s9  }
0x27: {  	s1 =	sld [smem:$0x3FAE]  }
0x28: {  	s2 =	sld [smem:$0x3FAF]  }
0x29: {  	s4 =	sld [smem:$0x3FB1]  }
0x2a: {  	p0 =	seq.s32 s5, $0x0;
	s5 =	sld [smem:$0x3FB2]  }
0x2b: {  	s6 =	sld [smem:$0x3FB3]  }
0x2c: {  	s7 =	sld [smem:$0x3FB4]  }
0x2d: {  	s3 =	simm.s32 $0x108;
	s8 =	sld [smem:$0x3FB5]  }
0x2e: {  	s3 =	simm.s32 @!p0 $0x1082;
	s9 =	sld [smem:$0x3FB6]  }
0x2f: {  	lr =	sadd.s32 s0, s3;
	s0 =	sld [smem:$0x3FAD]  }
0x30: {  	s3 =	sld [smem:$0x3FB0]  }
0x31: {  	[smem:$0x3FB9] =	sst s10  }
0x32: {  	s10 =	sld [smem:$0x3FB7];
	_ =	sdelay $0x3  }
0x33: {  	p0 =	seq.s32 s10, $0x1;
	s10 =	sld [smem:$0x3FB9];
	_ =	sdelay $0x3  }
0x34: {  	[smem:$0x3FB9] =	sst s10  }
0x35: {  	s10 =	sld [smem:$0x3FB8];
	_ =	sdelay $0x3  }
0x36: {  	p1 =	seq.s32 s10, $0x1;
	s10 =	sld [smem:$0x3FB9];
	_ =	sdelay $0x3  }
0x37: {  	[smem:$0x3FB9] =	sst s10  }
0x38: {  	s10 =	sld [smem:$0x3FBA]  }
0x39: {  	_ = 	snop;
	(pc) =	sbr.ind lr, $3  }
0x3a: {  	_ = 	snop  }
0x3b: {  	_ = 	snop  }
0x3c: {  	p2 =	seq.s32 s10, $0x1;
	s10 =	sld [smem:$0x3FB9]  }
0x3d: {  	_ =	shalt  }
0x3e: {  	_ =	shalt  }
0x3f: {  	_ =	shalt  }
0x40: {  	_ =	shalt  }
0x41: {  	_ =	shalt  }
0x42: {  	_ =	shalt  }
0x43: {  	_ =	shalt  }
0x44: {  	_ =	shalt  }
0x45: {  	_ =	shalt  }
0x46: {  	_ =	shalt  }
0x47: {  	_ =	shalt  }
0x48: {  	_ =	shalt  }
0x49: {  	_ =	shalt  }
0x4a: {  	_ =	shalt  }
0x4b: {  	_ =	shalt  }
0x4c: {  	_ =	shalt  }
0x4d: {  	_ =	shalt  }
0x4e: {  	_ =	shalt  }
0x4f: {  	_ =	shalt  }
0x50: {  	_ =	shalt  }
0x51: {  	_ =	shalt  }
0x52: {  	_ =	shalt  }
0x53: {  	_ =	shalt  }
0x54: {  	_ =	shalt  }
0x55: {  	_ =	shalt  }
0x56: {  	_ =	shalt  }
0x57: {  	_ =	shalt  }
0x58: {  	_ =	shalt  }
0x59: {  	_ =	shalt  }
0x5a: {  	_ =	shalt  }
0x5b: {  	_ =	shalt  }
0x5c: {  	_ =	shalt  }
0x5d: {  	_ =	shalt  }
0x5e: {  	_ =	shalt  }
0x5f: {  	_ =	shalt  }
0x60: {  	_ =	shalt  }
0x61: {  	_ =	shalt  }
0x62: {  	_ =	shalt  }
0x63: {  	_ =	shalt  }
0x64: {  	_ =	shalt  }
0x65: {  	_ =	shalt  }
0x66: {  	_ =	shalt  }
0x67: {  	_ =	shalt  }
0x68: {  	_ =	shalt  }
0x69: {  	_ =	shalt  }
0x6a: {  	_ =	shalt  }
0x6b: {  	_ =	shalt  }
0x6c: {  	_ =	shalt  }
0x6d: {  	_ =	shalt  }
0x6e: {  	_ =	shalt  }
0x6f: {  	_ =	shalt  }
0x70: {  	_ =	shalt  }
0x71: {  	_ =	shalt  }
0x72: {  	_ =	shalt  }
0x73: {  	_ =	shalt  }
0x74: {  	_ =	shalt  }
0x75: {  	_ =	shalt  }
0x76: {  	_ =	shalt  }
0x77: {  	_ =	shalt  }
0x78: {  	_ =	shalt  }
0x79: {  	_ =	shalt  }
0x7a: {  	_ =	shalt  }
0x7b: {  	_ =	shalt  }
0x7c: {  	_ =	shalt  }
0x7d: {  	_ =	shalt  }
0x7e: {  	_ =	shalt  }
0x7f: {  	_ =	shalt  }
0x80: {  	_ =	shalt  }
0x81: {  	_ =	shalt  }
0x82: {  	_ =	shalt  }
0x83: {  	_ =	shalt  }
0x84: {  	_ =	shalt  }
0x85: {  	_ =	shalt  }
0x86: {  	_ =	shalt  }
0x87: {  	_ =	shalt  }
.Lfunc_end0:
.L_simem_size_0:
called_computation.1_lowered:
.L_overlay_start_0:
0x88: {  	s2 =	sld [smem:$0x3FD9]  }
0x89: {  	s3 =	sld [smem:$0x3FFE];
	_ =	sdelay $0x1  }
0x8a: {  	s1 =	srdreg.scid  }
0x8b: {  	s0 =	sand.u32 $0x1, s1  }
0x8c: {  	s17 =	sshll.u32 s0, $0xA;
	s2 =	sadd.s32 s3, s2  }
0x8d: {  	s2 =	sadd.s32 s2, s17  }
0x8e: {  	[smem:$0x3FC5] =	sst s2  }
0x8f: {  	_ = 	snop  }
0x90: {  	s2 =	sld [smem:$0x3FC7];
	(tm) =	ssettm $0x1  }
0x91: {  	s18 =	sld [smem:$0x3FFB];
	_ =	sdelay $0x3  }
0x92: {  	_ =	strace s18  }
0x93: {  	s3 =	sld [smem:$0x3FFC];
	_ =	sdelay $0x3  }
0x94: {  	_ =	strace s3  }
0x95: {  	s3 =	sld [smem:$0x3FFD];
	_ =	sdelay $0x3  }
0x96: {  	_ =	strace s3  }
0x97: {  	_ =	strace $0x8FFFFFFF  }
0x98: {  	s19 =	sld [smem:$0x3FDB];
	_ =	sdelay $0x1  }
0x99: {  	s4 =	simm.s32 $_scs_section_size  }
0x9a: {  	s5 =	simm.s32 $_size__tile_overlayer_lowered;
	s6 =	simm.s32 $_tile_overlayer_lowered  }
0x9b: {  	s22 =	simm.s32 $0x1BFF;
	s21 =	sshll.u32 s6, $0x1;
	s3 =	sadd.s32 s4, s19  }
0x9c: {  	s7 =	simm.s32 $0x0;
	s20 =	sshll.u32 s5, $0x1;
	s5 =	sadd.s32 s21, s3  }
0x9d: {  	[timem:s7], [sflag:s22] =	dma.local [hbm:s5], s20  }
0x9e: {  	_ =	swait.ge [sflag:s22], s20  }
0x9f: {  	s4 =	ssub.s32 $0x0, s20;
	[sflag:s22] =	ssyncset.done $0x0  }
0xa0: {  	[sflag:s22] =	ssyncadd.s32 s4;
	_ =	sdelay $0x1  }
0xa1: {  	s23 =	simm.s32 $0x1B8B  }
0xa2: {  	_ =	swait.ge [sflag:s23], $0x1  }
0xa3: {  	[sflag:s23] =	ssyncset.done $0x0  }
0xa4: {  	s25 =	simm.s32 $0x1B8E;
	s24 =	sld [smem:$0x3FFE];
	[sflag:s23] =	ssyncadd.s32 $0xFFFFFFFF  }
0xa5: {  	s26 =	simm.s32 $execute0_lowered;
	[smem:$0x3FD2] =	sst s25  }
0xa6: {  	s5 =	sshll.u32 s26, $0x1;
	_ =	strace $0x80000046;
	[dreg:$0x1] =	wrdreg $0xFFFFFFFF  }
0xa7: {  	s28 =	simm.s32 $_size_execute0_lowered;
	s3 =	sadd.s32 s3, s5;
	[dreg:$0x0] =	wrdreg $0x0  }
0xa8: {  	s5 =	sshll.u32 s28, $0x1;
	[dreg:$0x2] =	wrdreg s3  }
0xa9: {  	[dreg:$0x3] =	wrdreg s5  }
0xaa: {  	[dreg:$0x4] =	wrdreg $0xC0  }
0xab: {  	_ =	task [dreg:s7], $0x5FFFF  }
0xac: {  	[dreg:$0x1] =	wrdreg $0xFFFFFFFF  }
0xad: {  	[dreg:$0x0] =	wrdreg $0x60  }
0xae: {  	[dreg:$0x2] =	wrdreg s2  }
0xaf: {  	[dreg:$0x3] =	wrdreg s24  }
0xb0: {  	[dreg:$0x4] =	wrdreg $0x0  }
0xb1: {  	[dreg:$0x5] =	wrdreg $0x9  }
0xb2: {  	_ =	task.clear_ibuf [dreg:s7], $0x6FFFF;
	_ =	strace $0x90000046  }
0xb3: {  	s29 =	simm.s32 $0x9;
	_ =	strace $0x80000048  }
0xb4: {  	_ =	swait.ge [sflag:s29], $0x1  }
0xb5: {  	[sflag:s29] =	ssyncadd.s32 $0xFFFFFFFF  }
0xb6: {  	_ =	strace $0x90000048  }
0xb7: {  	_ =	sfence  }
0xb8: {  	s30 =	sld [smem:$0x0];
	_ =	sdelay $0x2  }
0xb9: {  	s31 =	sshll.u32 s1, $0xD;
	s1 =	sshrl.u32 s1, $0x2  }
0xba: {  	s3 =	sand.u32 $0x4000, s31;
	s1 =	sadd.s32 s1, s30  }
0xbb: {  	s0 =	sor.u32 s3, s0;
	s1 =	sshll.u32 s1, $0x11  }
0xbc: {  	s0 =	sor.u32 s1, s0  }
0xbd: {  	s0 =	sadd.s32 $0x8F2B, s0  }
0xbe: {  	[sflag:s0] =	ssyncadd.remote.s32 $0x1  }
0xbf: {  	_ =	sfence.sel $0xFFFF  }
0xc0: {  	[dreg:$0x0] =	wrdreg $0xFFFFFFFF;
	(pc) =	sbr.abs _section_cstart, $3  }
0xc1: {  	[dreg:$0x1] =	wrdreg $0xFFFFFFFF  }
0xc2: {  	_ =	task.clear_ibuf [dreg:s7], $0x2FFFF;
	_ =	strace $0x9FFFFFFF  }
0xc3: {  	(tm) =	ssettm $0x7FFFFFFF  }
tec
execute0_lowered:
.L_overlay_start_1:
0x0: {  	(tag) =	ssettag $0x1  }
0x1: {  	v0 =	vimm.s32 $0x76543210  }
0x2: {  	vm0 =	vcmask $0x1F00;
	v1 =	vimm.s32 $0x908;
	v0 =	vunpack.c.l.s4.s8 v0  }
0x3: {  	v2 =	vimm.s32 $0x140B;
	vm11 =	vcmask $0x300;
	v3 =	vimm.s32 $0xDCBA00FE  }
0x4: {  	vm6 =	vcmask $0x704;
	vm2 =	vcmask $0x2720;
	v0 =	vunpack.c.0.s8.s32 v0  }
0x5: {  	vm1 =	vcmask $0xB08;
	vm12 =	vcmask $0x2710;
	v3 =	vunpack.c.l.s4.s8 v3  }
0x6: {  	v1 =	vunpack.c.0.s8.s32 v1;
	v2 =	vsel vm11, $0x1406, v2;
	v0 =	vand.u32 $0xF, v0  }
0x7: {  	v2 =	vsel vm6, $0x1407, v2;
	v3 =	vunpack.c.0.s8.s32 v3;
	v0 =	vnsel vm0, $0x1405, v0  }
0x8: {  	v2 =	vsel vm1, $0x1408, v2;
	vm0 =	vcmask $0xF0C;
	v1 =	vsel vm2, v1, v0  }
0x9: {  	v0 =	vsel vm0, $0x1409, v2;
	v2 =	vand.u32 $0xF, v3;
	v3 =	vimm.s32 $0x11101312  }
0xa: {  	vm13 =	vcmask $0x3728;
	v0 =	vsel vm12, v2, v0;
	v2 =	vunpack.c.0.s8.s32 v3  }
0xb: {  	v4 =	vimm.s32 $0x17161514;
	vm5 =	vcmask $0x1310;
	v3 =	vimm.s32 $0x140C  }
0xc: {  	vm4 =	vcmask $0x1714;
	v3 =	vsel vm6, $0x140D, v3;
	v2 =	vsel vm13, v2, v0  }
0xd: {  	v0 =	vunpack.c.0.s8.s32 v4;
	v3 =	vsel vm1, $0x140E, v3;
	v4 =	vimm.s32 $0x1B1A1918  }
0xe: {  	vm7 =	vcmask $0x1F10;
	v3 =	vsel vm0, $0x140F, v3;
	v4 =	vunpack.c.0.s8.s32 v4  }
0xf: {  	vm3 =	vcmask $0x1B18;
	v5 =	vimm.s32 $0x21201F1E;
	v3 =	vsel vm5, $0x1410, v3  }
0x10: {  	v3 =	vsel vm4, $0x1411, v3;
	v0 =	vsel vm7, v4, v0;
	v4 =	vimm.s32 $0x141A  }
0x11: {  	vm2 =	vcmask $0x1F1C;
	v3 =	vsel vm3, $0x1412, v3;
	v4 =	vsel vm6, $0x141B, v4  }
0x12: {  	v5 =	vunpack.c.0.s8.s32 v5;
	v3 =	vsel vm2, $0x1413, v3;
	v4 =	vsel vm1, $0x141C, v4  }
0x13: {  	v0 =	vcombine.low v3, v0;
	v3 =	vsel vm0, $0x141D, v4;
	v4 =	vimm.s32 $0x25242322  }
0x14: {  	s1 =	rddreg [dreg:$0x1];
	v3 =	vsel vm7, v5, v3;
	v4 =	vunpack.c.0.s8.s32 v4;
	v5 =	vimm.s32 $0x2726  }
0x15: {  	s2 =	rddreg [dreg:$0x2];
	s3 =	simm.s32 $0x0;
	s4 =	srdreg.scid;
	vm14 =	vcmask $0xF00;
	vm8 =	vcmask $0x1710;
	v5 =	vunpack.c.0.s8.s32 v5  }
0x16: {  	s11 =	stileid.u32;
	vm15 =	vcmask $0x2F2C;
	vm9 =	vcmask $0x2320;
	s14 =	simm.s32 $0xF428;
	s15 =	simm.s32 $0x3;
	v4 =	vnsel vm14, $0x1427, v4  }
0x17: {  	s17 =	simm.s32 $0x2800;
	s18 =	simm.s32 $0x14428;
	s19 =	simm.s32 $0x1;
	vm12 =	vcmask $0x3330;
	v4 =	vsel vm8, v5, v4;
	v5 =	vimm.s32 $0x1D1C  }
0x18: {  	s20 =	simm.s32 $0x11C28;
	s21 =	simm.s32 $0x13028;
	s22 =	simm.s32 $0x16C28;
	vm6 =	vcmask $0x2B28;
	v5 =	vunpack.c.0.s8.s32 v5;
	v4 =	vsel vm3, $0x141E, v4  }
0x19: {  	s23 =	simm.s32 $0x19428;
	s24 =	simm.s32 $0x2;
	s25 =	simm.s32 $0x0;
	vm13 =	vcmask $0x2724;
	v1 =	vsel vm6, $0x1400, v1;
	v4 =	vsel vm2, $0x141F, v4  }
0x1a: {  	s16 =	simm.s32 $0x0;
	[smem:$0x7FF] =	sst s3;
	s5 =	sand.u32 $0x1, s4;
	v1 =	vsel vm15, $0x1401, v1;
	v5 =	vsel vm1, $0x1414, v5;
	v4 =	vsel vm9, $0x1420, v4  }
0x1b: {  	s30 =	sshll.u32 s11, $0x1;
	s4 =	sadd.s32 $0xD7AA00, s1;
	s7 =	sadd.s32 $0xFAA00, s1;
	v1 =	vsel vm12, $0x1402, v1;
	v5 =	vsel vm0, $0x1415, v5;
	v4 =	vsel vm13, $0x1421, v4  }
0x1c: {  	p0 =	sne.s32 s11, $0x0;
	_ =	strace $0x80000047;
	s6 =	sor.u32 s5, s30;
	vm14 =	vcmask $0x3734;
	v5 =	vsel vm5, $0x1416, v5;
	v4 =	vsel vm6, $0x1422, v4  }
0x1d: {  	s8 =	ssub.s32 $0x2, s5;
	s5 =	sadd.s32 $0xA00, s1;
	s9 =	smul.u32 $0x7D00, s6;
	v1 =	vsel vm14, $0x1403, v1;
	v5 =	vsel vm4, $0x1417, v5;
	v4 =	vsel vm15, $0x1423, v4  }
0x1e: {  	s13 =	sshrl.u32 @!p0 s2, $0x3;
	s10 =	sshrl.u32 s8, $0x1;
	s6 =	smul.u32 $0x6400, s6;
	vm15 =	vcmask $0x3B38;
	v5 =	vsel vm3, $0x1418, v5;
	v4 =	vsel vm12, $0x1424, v4  }
0x1f: {  	s31 =	ssub.s32 s8, s10;
	s8 =	sadd.s32 s4, s9;
	s9 =	sadd.s32 s5, s9;
	v1 =	vsel vm15, $0x1404, v1;
	v5 =	vsel vm2, $0x1419, v5;
	v4 =	vsel vm14, $0x1425, v4  }
0x20: {  	s10 =	sor.u32 $0x200, s6;
	s11 =	sadd.s32 $0x400, s6;
	s12 =	smax.u32 s31, $0x1;
	v2 =	vsel vm15, $0x140A, v2;
	v3 =	vcombine.low v5, v3;
	v4 =	vsel vm15, $0x1426, v4  }
.LBB2_1:
0x21: {  	s1 =	simm.s32 @!p0 $0x1C01;
	s0 =	rddreg [dreg:$0x0]  }
0x22: {  	[spmem:s13], [sflag:s1] =	dma.local @!p0 [hbm:s0], $0x1E850  }
0x23: {  	s1 =	simm.s32 @!p0 $0x1  }
0x24: {  	_ =	swait.ge @!p0 [sflag:s1], $0x1E850  }
0x25: {  	[sflag:s1] =	ssyncset.done @!p0 $0x0  }
0x26: {  	[sflag:s1] =	ssyncadd.s32 @!p0 $0xFFFE17B0  }
0x27: {  	[bflag:$0x0] =	sbarrier.arrive $0xFFFF  }
0x28: {  	[tilespmem:s14], [sflag:$0x3] =	stream.linear.gather [hbm4b:s8+s3], $0x1400, $0x38;
	[tilespmem:$0x1BC28] =	vst v63  }
0x29: {  	_ =	swait.ge [sflag:s15], $0x1400  }
0x2a: {  	[sflag:s15] =	ssyncset.done $0x0  }
0x2b: {  	s31 =	simm.s32 $0x10828;
	[sflag:s15] =	ssyncadd.s32 $0xFFFFEC00  }
0x2c: {  	[tilespmem:s31], [sflag:$0x3] =	stream.linear.gather [hbm4b:s9+s3], $0x1400, $0x38;
	[tilespmem:$0x1BC28] =	vst v63  }
0x2d: {  	_ =	swait.ge [sflag:s15], $0x1400  }
0x2e: {  	[sflag:s15] =	ssyncset.done $0x0  }
0x2f: {  	s26 =	simm.s32 $0x0;
	[sflag:s15] =	ssyncadd.s32 $0xFFFFEC00  }
0x30: {  	[tilespmem:s18], [sflag:$0x1] =	stream.indirect.gather [spmem:s2], $0x1, s14, s17, $0xb8;
	[tilespmem:$0x1BC28] =	vst v63  }
.LBB2_2:
0x31: {  	s29 =	sshll.u32 s26, $0xA  }
0x32: {  	s28 =	sadd.s32 s29, s10  }
0x33: {  	s1 =	smul.u32 $0xA, s28  }
0x34: {  	_ =	swait.ge [sflag:s19], $0x2800  }
0x35: {  	[sflag:s19] =	ssyncset.done $0x0;
	s1 =	sshrl.u32 s1, $0x3  }
0x36: {  	s31 =	simm.s32 $0x0;
	[sflag:s19] =	ssyncadd.s32 $0xFFFFD800;
	s30 =	sadd.s32 s4, s1  }
0x37: {  	[tilespmem:s20], [sflag:$0x3] =	stream.linear.gather [hbm4b:s30+s31], $0x1400, $0x38;
	[tilespmem:$0x1BC28] =	vst v63  }
0x38: {  	_ =	swait.ge [sflag:s15], $0x1400  }
0x39: {  	[sflag:s15] =	ssyncset.done $0x0  }
0x3a: {  	s1 =	sadd.s32 s5, s1;
	[sflag:s15] =	ssyncadd.s32 $0xFFFFEC00  }
0x3b: {  	v5 =	vadd.s32 s31, v1;
	[tilespmem:s21], [sflag:$0x3] =	stream.linear.gather [hbm4b:s1+s31], $0x1400, $0x38;
	[tilespmem:$0x1BC28] =	vst v63  }
0x3c: {  	_ =	swait.ge [sflag:s15], $0x1400  }
0x3d: {  	[sflag:s15] =	ssyncset.done $0x0  }
0x3e: {  	[sflag:s15] =	ssyncadd.s32 $0xFFFFEC00  }
0x3f: {  	[tilespmem:s22], [sflag:$0x2] =	stream.indirect.gather [spmem:s2], $0x1, s20, s17, $0xb8;
	[tilespmem:$0x1BC28] =	vst v63  }
0x40: {  	v5 =	vld.idx.msk [tilespmem:v5+s18+$0x0], $0xffff  }
0x41: {  	v6 =	vadd.s32 s31, v2;
	_ =	sdelay $0x2  }
0x42: {  	s30 =	simm.s32 $0x19448  }
0x43: {  	[tilespmem:s30+$0xFFFFFFE0] =	vst v5  }
0x44: {  	v5 =	vld.idx.msk [tilespmem:v6+s18+$0x0], $0xffff  }
0x45: {  	v6 =	vadd.s32 s31, v0;
	_ =	sdelay $0x3  }
0x46: {  	[tilespmem:s30+$0xFFFFFFF0] =	vst v5  }
0x47: {  	v5 =	vld.idx.msk [tilespmem:v6+s18+$0x0], $0xffff  }
0x48: {  	v6 =	vadd.s32 s31, v3;
	_ =	sdelay $0x3  }
0x49: {  	[tilespmem:s30+$0x0] =	vst v5  }
0x4a: {  	v5 =	vld.idx.msk [tilespmem:v6+s18+$0x0], $0xffff  }
0x4b: {  	v6 =	vadd.s32 s31, v4;
	_ =	sdelay $0x3  }
0x4c: {  	[tilespmem:s30+$0x10] =	vst v5  }
0x4d: {  	s31 =	simm.s32 $0x28;
	v5 =	vld.idx.msk [tilespmem:v6+s18+$0x0], $0xffff  }
0x4e: {  	s1 =	simm.s32 $0x50;
	v6 =	vadd.s32 s31, v1  }
.LBB2_3:
0x4f: {  	p1 =	sne.s32 s1, $0x13D8;
	_ =	sdelay $0x2  }
0x50: {  	[tilespmem:s30+$0x20] =	vst v5  }
0x51: {  	v5 =	vld.idx.msk [tilespmem:v6+s18+$0x0], $0xffff;
	_ =	sdelay $0x1  }
0x52: {  	v6 =	vadd.s32 s31, v2;
	_ =	sdelay $0x2  }
0x53: {  	s30 =	sadd.s32 $0x50, s30  }
0x54: {  	[tilespmem:s30+$0xFFFFFFE0] =	vst v5  }
0x55: {  	v5 =	vld.idx.msk [tilespmem:v6+s18+$0x0], $0xffff;
	_ =	sdelay $0x1  }
0x56: {  	v6 =	vadd.s32 s31, v0;
	_ =	sdelay $0x3  }
0x57: {  	[tilespmem:s30+$0xFFFFFFF0] =	vst v5  }
0x58: {  	v5 =	vld.idx.msk [tilespmem:v6+s18+$0x0], $0xffff;
	_ =	sdelay $0x1  }
0x59: {  	v6 =	vadd.s32 s31, v3;
	_ =	sdelay $0x3  }
0x5a: {  	[tilespmem:s30+$0x0] =	vst v5  }
0x5b: {  	v5 =	vld.idx.msk [tilespmem:v6+s18+$0x0], $0xffff;
	_ =	sdelay $0x1  }
0x5c: {  	v6 =	vadd.s32 s31, v4;
	s31 =	smov.u32 s1;
	_ =	sdelay $0x2  }
.Ltmp0:
0x5d: {  	(pc) =	sbr.rel @p1 .LBB2_3-.Ltmp0, $3  }
0x5e: {  	[tilespmem:s30+$0x10] =	vst v5  }
0x5f: {  	v5 =	vld.idx.msk [tilespmem:v6+s18+$0x0], $0xffff;
	_ =	sdelay $0x1  }
0x60: {  	s1 =	sadd.s32 $0x28, s1;
	v6 =	vadd.s32 s31, v1  }
0x61: {  	_ =	sdelay $0x2  }
0x62: {  	[tilespmem:s30+$0x20] =	vst v5  }
0x63: {  	v5 =	vld.idx.msk [tilespmem:v6+s18+$0x0], $0xffff  }
0x64: {  	v6 =	vadd.s32 s31, v2;
	_ =	sdelay $0x2  }
0x65: {  	s1 =	sadd.s32 $0x50, s30  }
0x66: {  	[tilespmem:s1+$0xFFFFFFE0] =	vst v5  }
0x67: {  	v5 =	vld.idx.msk [tilespmem:v6+s18+$0x0], $0xffff  }
0x68: {  	v6 =	vadd.s32 s31, v0;
	_ =	sdelay $0x3  }
0x69: {  	[tilespmem:s1+$0xFFFFFFF0] =	vst v5  }
0x6a: {  	v5 =	vld.idx.msk [tilespmem:v6+s18+$0x0], $0xffff  }
0x6b: {  	v6 =	vadd.s32 s31, v3;
	_ =	sdelay $0x3  }
0x6c: {  	[tilespmem:s1+$0x0] =	vst v5  }
0x6d: {  	v5 =	vld.idx.msk [tilespmem:v6+s18+$0x0], $0xffff  }
0x6e: {  	v6 =	vadd.s32 s31, v4;
	_ =	sdelay $0x3  }
0x6f: {  	[tilespmem:s1+$0x10] =	vst v5  }
0x70: {  	v5 =	vld.idx.msk [tilespmem:v6+s18+$0x0], $0xffff  }
0x71: {  	s30 =	sadd.s32 s6, s29  }
0x72: {  	s30 =	smul.u32 $0x14, s30;
	_ =	sdelay $0x1  }
0x73: {  	s30 =	sshrl.u32 s30, $0x3  }
0x74: {  	s31 =	sadd.s32 s7, s30;
	[tilespmem:s1+$0x20] =	vst v5  }
0x75: {  	[hbm4b:s31+s3] =	stream.linear.scatter [tilespmem:s23], [sflag:$0x3], $0x2800, $0x38;
	[tilespmem:$0x1BC28] =	vst v63  }
0x76: {  	p1 =	seq.s32 s26, $0x18;
	_ =	swait.ge [sflag:s15], $0x2800  }
0x77: {  	s1 =	sadd.s32 @!p1 s29, s11;
	[sflag:s15] =	ssyncset.done $0x0  }
0x78: {  	s1 =	smul.u32 @!p1 $0xA, s1;
	[sflag:s15] =	ssyncadd.s32 $0xFFFFD800  }
0x79: {  	_ =	swait.ge [sflag:s24], $0x2800  }
0x7a: {  	s30 =	simm.s32 @!p1 $0x0;
	s1 =	sshrl.u32 @!p1 s1, $0x3;
	[sflag:s24] =	ssyncset.done $0x0  }
0x7b: {  	s31 =	simm.s32 @!p1 $0xF428;
	s29 =	sadd.s32 @!p1 s4, s1;
	[sflag:s24] =	ssyncadd.s32 $0xFFFFD800  }
0x7c: {  	[tilespmem:s31], [sflag:$0x3] =	stream.linear.gather @!p1 [hbm4b:s29+s30], $0x1400, $0x38;
	[tilespmem:$0x1BC28] =	vst v63  }
0x7d: {  	s29 =	simm.s32 @!p1 $0x3  }
0x7e: {  	_ =	swait.ge @!p1 [sflag:s29], $0x1400  }
0x7f: {  	[sflag:s29] =	ssyncset.done @!p1 $0x0  }
0x80: {  	s0 =	simm.s32 @!p1 $0x10828;
	s1 =	sadd.s32 @!p1 s5, s1;
	[sflag:s29] =	ssyncadd.s32 @!p1 $0xFFFFEC00  }
0x81: {  	v5 =	vadd.s32 s16, v1;
	[tilespmem:s0], [sflag:$0x3] =	stream.linear.gather @!p1 [hbm4b:s1+s30], $0x1400, $0x38;
	[tilespmem:$0x1BC28] =	vst v63  }
0x82: {  	_ =	swait.ge @!p1 [sflag:s29], $0x1400  }
0x83: {  	[sflag:s29] =	ssyncset.done @!p1 $0x0  }
0x84: {  	s0 =	simm.s32 @!p1 $0x2800;
	s1 =	simm.s32 @!p1 $0x14428;
	[sflag:s29] =	ssyncadd.s32 @!p1 $0xFFFFEC00  }
0x85: {  	[tilespmem:s1], [sflag:$0x1] =	stream.indirect.gather @!p1 [spmem:s2], $0x1, s31, s0, $0xb8;
	[tilespmem:$0x1BC28] =	vst v63  }
0x86: {  	v5 =	vld.idx.msk [tilespmem:v5+s22+$0x0], $0xffff  }
0x87: {  	v6 =	vadd.s32 s16, v2;
	_ =	sdelay $0x2  }
0x88: {  	s29 =	simm.s32 $0x19448  }
0x89: {  	[tilespmem:s29+$0xFFFFFFE0] =	vst v5  }
0x8a: {  	v5 =	vld.idx.msk [tilespmem:v6+s22+$0x0], $0xffff  }
0x8b: {  	v6 =	vadd.s32 s16, v0;
	_ =	sdelay $0x3  }
0x8c: {  	[tilespmem:s29+$0xFFFFFFF0] =	vst v5  }
0x8d: {  	v5 =	vld.idx.msk [tilespmem:v6+s22+$0x0], $0xffff  }
0x8e: {  	v6 =	vadd.s32 s16, v3;
	_ =	sdelay $0x3  }
0x8f: {  	[tilespmem:s29+$0x0] =	vst v5  }
0x90: {  	v5 =	vld.idx.msk [tilespmem:v6+s22+$0x0], $0xffff  }
0x91: {  	v6 =	vadd.s32 s16, v4;
	_ =	sdelay $0x3  }
0x92: {  	[tilespmem:s29+$0x10] =	vst v5  }
0x93: {  	s30 =	simm.s32 $0x28;
	v5 =	vld.idx.msk [tilespmem:v6+s22+$0x0], $0xffff  }
0x94: {  	s1 =	simm.s32 $0x50;
	v6 =	vadd.s32 s30, v1  }
.LBB2_5:
0x95: {  	p1 =	sne.s32 s1, $0x13D8;
	_ =	sdelay $0x2  }
0x96: {  	[tilespmem:s29+$0x20] =	vst v5  }
0x97: {  	v5 =	vld.idx.msk [tilespmem:v6+s22+$0x0], $0xffff;
	_ =	sdelay $0x1  }
0x98: {  	v6 =	vadd.s32 s30, v2;
	_ =	sdelay $0x2  }
0x99: {  	s29 =	sadd.s32 $0x50, s29  }
0x9a: {  	[tilespmem:s29+$0xFFFFFFE0] =	vst v5  }
0x9b: {  	v5 =	vld.idx.msk [tilespmem:v6+s22+$0x0], $0xffff;
	_ =	sdelay $0x1  }
0x9c: {  	v6 =	vadd.s32 s30, v0;
	_ =	sdelay $0x3  }
0x9d: {  	[tilespmem:s29+$0xFFFFFFF0] =	vst v5  }
0x9e: {  	v5 =	vld.idx.msk [tilespmem:v6+s22+$0x0], $0xffff;
	_ =	sdelay $0x1  }
0x9f: {  	v6 =	vadd.s32 s30, v3;
	_ =	sdelay $0x3  }
0xa0: {  	[tilespmem:s29+$0x0] =	vst v5  }
0xa1: {  	v5 =	vld.idx.msk [tilespmem:v6+s22+$0x0], $0xffff;
	_ =	sdelay $0x1  }
0xa2: {  	v6 =	vadd.s32 s30, v4;
	s30 =	smov.u32 s1;
	_ =	sdelay $0x2  }
.Ltmp1:
0xa3: {  	(pc) =	sbr.rel @p1 .LBB2_5-.Ltmp1, $3  }
0xa4: {  	[tilespmem:s29+$0x10] =	vst v5  }
0xa5: {  	v5 =	vld.idx.msk [tilespmem:v6+s22+$0x0], $0xffff;
	_ =	sdelay $0x1  }
0xa6: {  	s1 =	sadd.s32 $0x28, s1;
	v6 =	vadd.s32 s30, v1  }
0xa7: {  	_ =	sdelay $0x2  }
0xa8: {  	[tilespmem:s29+$0x20] =	vst v5  }
0xa9: {  	v5 =	vld.idx.msk [tilespmem:v6+s22+$0x0], $0xffff  }
0xaa: {  	v6 =	vadd.s32 s30, v2;
	_ =	sdelay $0x2  }
0xab: {  	s0 =	sadd.s32 $0x50, s29  }
0xac: {  	[tilespmem:s0+$0xFFFFFFE0] =	vst v5  }
0xad: {  	v5 =	vld.idx.msk [tilespmem:v6+s22+$0x0], $0xffff  }
0xae: {  	v6 =	vadd.s32 s30, v0;
	_ =	sdelay $0x3  }
0xaf: {  	[tilespmem:s0+$0xFFFFFFF0] =	vst v5  }
0xb0: {  	v5 =	vld.idx.msk [tilespmem:v6+s22+$0x0], $0xffff  }
0xb1: {  	v6 =	vadd.s32 s30, v3;
	_ =	sdelay $0x3  }
0xb2: {  	[tilespmem:s0+$0x0] =	vst v5  }
0xb3: {  	v5 =	vld.idx.msk [tilespmem:v6+s22+$0x0], $0xffff  }
0xb4: {  	v6 =	vadd.s32 s30, v4;
	_ =	sdelay $0x3  }
0xb5: {  	[tilespmem:s0+$0x10] =	vst v5  }
0xb6: {  	v5 =	vld.idx.msk [tilespmem:v6+s22+$0x0], $0xffff;
	_ =	sdelay $0x1  }
0xb7: {  	s1 =	smul.u32 $0x14, s28  }
0xb8: {  	s26 =	sadd.s32 $0x1, s26  }
0xb9: {  	p1 =	sne.s32 s26, $0x19;
	s1 =	sshrl.u32 s1, $0x3  }
.Ltmp2:
0xba: {  	s31 =	sadd.s32 s7, s1;
	[tilespmem:s0+$0x20] =	vst v5;
	(pc) =	sbr.rel @p1 .LBB2_2-.Ltmp2, $4  }
0xbb: {  	[hbm4b:s31+s3] =	stream.linear.scatter [tilespmem:s23], [sflag:$0x3], $0x2800, $0x38;
	[tilespmem:$0x1BC28] =	vst v63  }
0xbc: {  	_ =	swait.ge [sflag:s15], $0x2800  }
0xbd: {  	[sflag:s15] =	ssyncset.done $0x0  }
0xbe: {  	[sflag:s15] =	ssyncadd.s32 $0xFFFFD800  }
0xbf: {  	s25 =	sadd.s32 $0x1, s25  }
0xc0: {  	p1 =	sne.s32 s25, s12  }
.Ltmp3:
0xc1: {  	_ = 	snop;
	(pc) =	sbr.rel @p1 .LBB2_1-.Ltmp3, $1  }
0xc2: {  	_ =	sdelay $0x3  }
0xc3: {  	_ =	sfence.sel $0x180000  }
0xc4: {  	[bflag:$0x0] =	sbarrier.arrive $0xFFFF  }
0xc5: {  	_ =	strace $0x90000047  }
0xc6: {  	[bflag:$0x2] =	sbarrier.arrive $0xFFFF  }
0xc7: {  	s0 =	rddreg [dreg:$0x3]  }
0xc8: {  	s0 =	sadd.s32 @!p0 $0x100000, s0  }
0xc9: {  	[sflag:s0] =	ssyncadd.tile.s32 @!p0 $0x1;
	_ =	shalt  }
.Lfunc_end2:
_tile_overlayer_lowered:
.L_overlay_start_2:
0xca: {  	(tag) =	ssettag $0x2  }
0xcb: {  	s0 =	rddreg [dreg:$0x0];
	s2 =	stileid.u32  }
0xcc: {  	s1 =	rddreg [dreg:$0x1];
	p0 =	sne.s32 s2, $0x0  }
0xcd: {  	s3 =	rddreg [dreg:$0x2];
	[bflag:$0x3] =	sbarrier.arrive $0xFFFF;
	s2 =	simm.s32 @!p0 $0x1C03  }
0xce: {  	[timem:s3], [sflag:s2] =	dma.local @!p0 [hbm:s0], s1  }
0xcf: {  	s0 =	simm.s32 @!p0 $0x3  }
0xd0: {  	_ =	swait.ge @!p0 [sflag:s0], s1  }
0xd1: {  	s1 =	ssub.s32 @!p0 $0x0, s1;
	[sflag:s0] =	ssyncset.done @!p0 $0x0  }
0xd2: {  	[sflag:s0] =	ssyncadd.s32 @!p0 s1  }
0xd3: {  	[bflag:$0x3] =	sbarrier.arrive $0xFFFF  }
0xd4: {  	_ =	shalt  }

// kernel: sparse-core-data-format-call.cloned.1.call-start
scs
called_computation_lowered:
.L_overlay_start_0:
0x0: {  	s2 =	sld [smem:$0x3FD9]  }
0x1: {  	s3 =	sld [smem:$0x3FFE];
	_ =	sdelay $0x1  }
0x2: {  	s1 =	srdreg.scid  }
0x3: {  	s0 =	sand.u32 $0x1, s1  }
0x4: {  	s18 =	sshll.u32 s0, $0xA;
	s2 =	sadd.s32 s3, s2  }
0x5: {  	s2 =	sadd.s32 s2, s18  }
0x6: {  	[smem:$0x3FC5] =	sst s2  }
0x7: {  	_ = 	snop  }
0x8: {  	s2 =	sld [smem:$0x3FD0];
	(tm) =	ssettm $0x1  }
0x9: {  	s19 =	sld [smem:$0x3FFB];
	_ =	sdelay $0x3  }
0xa: {  	_ =	strace s19  }
0xb: {  	s3 =	sld [smem:$0x3FFC];
	_ =	sdelay $0x3  }
0xc: {  	_ =	strace s3  }
0xd: {  	s3 =	sld [smem:$0x3FFD];
	_ =	sdelay $0x3  }
0xe: {  	_ =	strace s3  }
0xf: {  	_ =	strace $0x8FFFFFFF  }
0x10: {  	s20 =	sld [smem:$0x3FDB];
	_ =	sdelay $0x1  }
0x11: {  	s4 =	simm.s32 $_scs_section_size  }
0x12: {  	s5 =	simm.s32 $_size__tile_overlayer_lowered;
	s6 =	simm.s32 $_tile_overlayer_lowered  }
0x13: {  	s23 =	simm.s32 $0x1BFF;
	s22 =	sshll.u32 s6, $0x1;
	s3 =	sadd.s32 s4, s20  }
0x14: {  	s7 =	simm.s32 $0x0;
	s21 =	sshll.u32 s5, $0x1;
	s5 =	sadd.s32 s22, s3  }
0x15: {  	[timem:s7], [sflag:s23] =	dma.local [hbm:s5], s21  }
0x16: {  	_ =	swait.ge [sflag:s23], s21  }
0x17: {  	s4 =	ssub.s32 $0x0, s21;
	[sflag:s23] =	ssyncset.done $0x0  }
0x18: {  	[sflag:s23] =	ssyncadd.s32 s4;
	_ =	sdelay $0x1  }
0x19: {  	s24 =	simm.s32 $0x1B8B  }
0x1a: {  	_ =	swait.ge [sflag:s24], $0x1  }
0x1b: {  	[sflag:s24] =	ssyncset.done $0x0  }
0x1c: {  	s26 =	simm.s32 $0x1B8E;
	s25 =	sld [smem:$0x3FFE];
	[sflag:s24] =	ssyncadd.s32 $0xFFFFFFFF  }
0x1d: {  	s27 =	simm.s32 $execute0_lowered;
	[smem:$0x3FD2] =	sst s26  }
0x1e: {  	s5 =	sshll.u32 s27, $0x1;
	_ =	strace $0x80000049;
	[dreg:$0x1] =	wrdreg $0xFFFFFFFF  }
0x1f: {  	s28 =	simm.s32 $_size_execute0_lowered;
	s3 =	sadd.s32 s3, s5;
	[dreg:$0x0] =	wrdreg $0x0  }
0x20: {  	s5 =	sshll.u32 s28, $0x1;
	[dreg:$0x2] =	wrdreg s3  }
0x21: {  	[dreg:$0x3] =	wrdreg s5  }
0x22: {  	[dreg:$0x4] =	wrdreg $0xC0  }
0x23: {  	_ =	task [dreg:s7], $0x5FFFF  }
0x24: {  	[dreg:$0x1] =	wrdreg $0xFFFFFFFF  }
0x25: {  	[dreg:$0x0] =	wrdreg $0x60  }
0x26: {  	[dreg:$0x2] =	wrdreg s25  }
0x27: {  	[dreg:$0x3] =	wrdreg s2  }
0x28: {  	[dreg:$0x4] =	wrdreg $0x9  }
0x29: {  	_ =	task.clear_ibuf [dreg:s7], $0x5FFFF;
	_ =	strace $0x90000049  }
0x2a: {  	s29 =	simm.s32 $0x9;
	_ =	strace $0x8000004B  }
0x2b: {  	_ =	swait.ge [sflag:s29], $0x1  }
0x2c: {  	[sflag:s29] =	ssyncadd.s32 $0xFFFFFFFF  }
0x2d: {  	_ =	strace $0x9000004B  }
0x2e: {  	_ =	sfence  }
0x2f: {  	s30 =	sld [smem:$0x0];
	_ =	sdelay $0x2  }
0x30: {  	s31 =	sshll.u32 s1, $0xD;
	s1 =	sshrl.u32 s1, $0x2  }
0x31: {  	s3 =	sand.u32 $0x4000, s31;
	s1 =	sadd.s32 s1, s30  }
0x32: {  	s0 =	sor.u32 s3, s0;
	s1 =	sshll.u32 s1, $0x11  }
0x33: {  	s0 =	sor.u32 s1, s0  }
0x34: {  	s0 =	sadd.s32 $0x8F2B, s0  }
0x35: {  	[sflag:s0] =	ssyncadd.remote.s32 $0x1  }
0x36: {  	_ =	sfence.sel $0xFFFF  }
0x37: {  	[dreg:$0x0] =	wrdreg $0xFFFFFFFF;
	(pc) =	sbr.abs _section_cstart, $3  }
0x38: {  	[dreg:$0x1] =	wrdreg $0xFFFFFFFF  }
0x39: {  	_ =	task.clear_ibuf [dreg:s7], $0x2FFFF;
	_ =	strace $0x9FFFFFFF  }
0x3a: {  	(tm) =	ssettm $0x7FFFFFFF  }
0x3b: {  	_ =	shalt  }
tec
execute0_lowered:
.L_overlay_start_1:
0x0: {  	(tag) =	ssettag $0x1  }
0x1: {  	s0 =	srdreg.scid;
	s5 =	rddreg [dreg:$0x0]  }
0x2: {  	s3 =	rddreg [dreg:$0x1];
	s1 =	sshll.u32 s0, $0x4  }
0x3: {  	s7 =	simm.s32 $0x1;
	s0 =	stileid.u32;
	s1 =	sand.u32 $0x10, s1  }
0x4: {  	s8 =	simm.s32 $0x2;
	s15 =	simm.s32 $0x0;
	s1 =	sor.u32 s0, s1  }
0x5: {  	s14 =	simm.s32 $0x0;
	s9 =	simm.s32 $0x0;
	s2 =	sshll.u32 s1, $0x7  }
0x6: {  	s10 =	simm.s32 $0x0;
	s11 =	simm.s32 $0x0;
	s6 =	ssub.s32 $0x1000, s2  }
0x7: {  	s13 =	simm.s32 $0x0;
	s5 =	sadd.s32 $0x1F4A00, s5;
	s4 =	sand.u32 $0xF80, s6  }
.Ltmp0:
0x8: {  	s1 =	rddreg [dreg:$0x2];
	p0 =	sne.s32 s4, $0x0;
	(pc) =	sbr.rel .LBB1_1-.Ltmp0, $4  }
0x9: {  	_ =	strace $0x8000004A;
	s6 =	sshrl.u32 s6, $0xC;
	s7 =	simm.s32 @!p0 $0x0  }
0xa: {  	s12 =	smov.u32 s2;
	s4 =	simm.s32 $0x1;
	s6 =	sadd.s32 s7, s6  }
0xb: {  	[sflag:s4] =	ssyncpa.u1 $0x0;
	p0 =	por $0x0, $0x0;
	s6 =	sshll.u32 s6, $0x5  }
0xc: {  	[sflag:s8] =	ssyncpa.u1 $0x0;
	s8 =	simm.s32 $0x8000;
	s7 =	sor.u32 $0x1, s6  }
.LBB1_4:
0xd: {  	s20 =	sshra.s32 s20, $0x2  }
0xe: {  	s28 =	sand.u32 $0x78, s10;
	s21 =	sshll.u32 s9, $0xC;
	s22 =	sshll.u32 s10, $0x3  }
0xf: {  	s24 =	sshll.u32 s9, $0x7;
	p1 =	sgt.s32 s9, $0xF20;
	s30 =	sshra.s32 s9, $0x1F  }
0x10: {  	s26 =	sshra.s32 s10, $0x1F;
	s19 =	sadd.s32 s20, s19;
	s21 =	sand.u32 $0xFFFF8000, s21  }
0x11: {  	v5 =	vld [tilespmem:s17+$0xFFFFFFD0];
	[tilespmem:s18+$0x2040 ss:$0x81] =	vst.msk $0xffff, v4;
	s23 =	sand.u32 $0xFFFFFC00, s22;
	s29 =	sand.u32 $0x380, s24;
	s22 =	sand.u32 $0xC00, s22  }
0x12: {  	v58 =	vld [tilespmem:s17+$0xFFFFFFE0];
	[tilespmem:s18+$0x2850 ss:$0x81] =	vst.msk $0xffff, v3;
	s21 =	sadd.s32 s23, s21;
	s20 =	sor.u32 s28, s22;
	s22 =	smov.u32 s9  }
0x13: {  	v59 =	vld [tilespmem:s17+$0xFFFFFFF0];
	[tilespmem:s18+$0x3060 ss:$0x81] =	vst.msk $0xffff, v2;
	s24 =	sand.u32 s30, s9;
	s21 =	sshrl.u32 s21, $0xC;
	s22 =	simm.s32 @!p1 $0xF20  }
0x14: {  	v60 =	vld [tilespmem:s17+$0x0];
	[tilespmem:s18+$0x0 ss:$0x81] =	vst.msk $0xffff, v1;
	p1 =	sgt.s32 s10, $0xF80;
	s31 =	ssub.s32 s22, s24;
	s22 =	smov.u32 s10  }
0x15: {  	v61 =	vld [tilespmem:s17+$0x10];
	[tilespmem:s19+$0x3870 ss:$0x81] =	vst.msk $0xffff, v0;
	s25 =	smulhi.u32 $0x10624E, s21;
	s24 =	sand.u32 s26, s10;
	s22 =	simm.s32 @!p1 $0xF80  }
0x16: {  	v62 =	vld [tilespmem:s17+$0x20];
	s20 =	sor.u32 s29, s20;
	[tilespmem:s19+$0x810 ss:$0x81] =	vst.msk $0xffff, v5;
	s27 =	sadd.s32 $0xFFFFF0E0, s31;
	s22 =	ssub.s32 s22, s24  }
0x17: {  	v63 =	vld [tilespmem:s17+$0xFFFFFFC0];
	[tilespmem:s19+$0x1020 ss:$0x81] =	vst.msk $0xffff, v58;
	s18 =	ssub.s32 $0xFA0, s31;
	s28 =	smul.u32 $0xFA0, s25;
	s29 =	sadd.s32 $0xFFFFF080, s22  }
0x18: {  	[tilespmem:s19+$0x1830 ss:$0x81] =	vst.msk $0xffff, v59;
	p1 =	sgt.s32 s27, $0x7F;
	s22 =	ssub.s32 $0x1000, s22;
	p2 =	sgt.s32 s29, $0x7F  }
0x19: {  	s30 =	sand.u32 $0x7, s10;
	[tilespmem:s19+$0x2040 ss:$0x81] =	vst.msk $0xffff, v60;
	s18 =	simm.s32 @p1 $0x0;
	s22 =	simm.s32 @p2 $0x0  }
0x1a: {  	s20 =	sshrl.u32 s20, $0x3;
	[tilespmem:s19+$0x2850 ss:$0x81] =	vst.msk $0xffff, v61;
	s17 =	ssub.s32 s21, s28;
	s18 =	smul.u32 s22, s18  }
0x1b: {  	[tilespmem:s19+$0x3060 ss:$0x81] =	vst.msk $0xffff, v62;
	s20 =	sadd.s32 s3, s20;
	s21 =	sshll.u32 s30, $0x12;
	s17 =	sshll.u32 s17, $0x9  }
0x1c: {  	[tilespmem:s19+$0x0 ss:$0x81] =	vst.msk $0xffff, v63;
	s31 =	sor.u32 $0x400, s21;
	s17 =	sadd.s32 s17, s20;
	s18 =	sand.u32 $0x3FFFFFFF, s18  }
0x1d: {  	[hbm4b:s17+s31] =	stream.strided.scatter [tilespmem:s16], [sflag:$0x2], s18, s8, s31, $0x20;
	[tilespmem:$0x10100] =	vst v63  }
.LBB1_5:
0x1e: {  	p1 =	slt.u32 s13, $0x2  }
0x1f: {  	s17 =	smov.u32 s15;
	p2 =	sgt.s32 @!p1 s15, $0xF20;
	s16 =	sshra.s32 @!p1 s15, $0x1F  }
0x20: {  	p3 =	sgt.s32 @!p1 s14, $0xF80;
	s18 =	sshra.s32 @!p1 s14, $0x1F;
	p2 =	por !p2, p1  }
0x21: {  	s15 =	sand.u32 @!p1 s16, s15;
	p3 =	por !p3, p1;
	s16 =	smov.u32 s14  }
0x22: {  	s14 =	sand.u32 @!p1 s18, s14;
	s17 =	simm.s32 @p2 $0xF20;
	s16 =	simm.s32 @p3 $0xF80  }
0x23: {  	s15 =	ssub.s32 @!p1 s17, s15;
	s14 =	ssub.s32 @!p1 s16, s14  }
0x24: {  	s18 =	smov.u32 s12;
	s16 =	sadd.s32 @!p1 $0xFFFFF0E0, s15;
	s17 =	sadd.s32 @!p1 $0xFFFFF080, s14  }
0x25: {  	s15 =	ssub.s32 @!p1 $0xFA0, s15;
	p2 =	sgt.s32 @!p1 s16, $0x7F;
	p3 =	sgt.s32 @!p1 s17, $0x7F  }
0x26: {  	s14 =	ssub.s32 @!p1 $0x1000, s14;
	p2 =	por !p2, p1;
	p3 =	por !p3, p1  }
0x27: {  	s16 =	sadd.s32 $0x80, s11;
	s15 =	simm.s32 @!p2 $0x0;
	s14 =	simm.s32 @!p3 $0x0  }
0x28: {  	p2 =	sgt.s32 s16, $0xF9F;
	s14 =	smul.u32 @!p1 s14, s15;
	s15 =	sadd.s32 $0x1000, s12  }
0x29: {  	s18 =	smov.u32 @p2 s15  }
0x2a: {  	s16 =	simm.s32 @p2 $0x0;
	p2 =	sgt.s32 s18, $0xFFF  }
0x2b: {  	s18 =	smov.u32 @p2 s2;
	p2 =	sne.s32 s13, s7  }
.Ltmp1:
0x2c: {  	p0 =	por !p0, !p0;
	s17 =	simm.s32 @!p1 $0x2;
	(pc) =	sbr.rel @!p2 .LBB1_6-.Ltmp1, $4  }
0x2d: {  	s15 =	smov.u32 s9;
	s9 =	smov.u32 s11;
	s14 =	sand.u32 @!p1 $0x3FFFFFFF, s14  }
0x2e: {  	s11 =	smov.u32 s16;
	_ =	swait.ge @!p1 [sflag:s17], s14;
	s19 =	ssub.s32 @!p1 $0x0, s14  }
0x2f: {  	s14 =	smov.u32 s10;
	s13 =	sadd.s32 $0x1, s13;
	[sflag:s17] =	ssyncset.done @!p1 $0x0  }
0x30: {  	s10 =	smov.u32 s12;
	s12 =	smov.u32 s18;
	[sflag:s17] =	ssyncadd.s32 @!p1 s19  }
.LBB1_1:
0x31: {  	p1 =	sge.u32 s13, s6;
	s31 =	sadd.s32 $0xFFFFFFFF, s13  }
0x32: {  	s16 =	sand.u32 @!p1 $0x78, s11;
	s17 =	sshll.u32 @!p1 s12, $0xC;
	s18 =	sshll.u32 @!p1 s12, $0x7  }
0x33: {  	s19 =	sshll.u32 @!p1 s11, $0x3;
	s17 =	sand.u32 @!p1 $0xFF8000, s17;
	s18 =	sand.u32 @!p1 $0x380, s18  }
0x34: {  	s17 =	sadd.s32 @!p1 s17, s19;
	s19 =	sand.u32 @!p1 $0xC00, s19;
	s16 =	sor.u32 @!p1 s18, s16  }
0x35: {  	s18 =	sxor.u32 @!p1 $0xFFFFFFFF, s13;
	s17 =	sand.u32 @!p1 $0xFFF000, s17;
	s16 =	sor.u32 @!p1 s19, s16  }
0x36: {  	s18 =	sshll.u32 @!p1 s18, $0xE;
	s16 =	sor.u32 @!p1 s17, s16;
	s17 =	sand.u32 @!p1 $0x7, s11  }
0x37: {  	s19 =	simm.s32 @!p1 $0x8000;
	s16 =	sshrl.u32 @!p1 s16, $0x3;
	s17 =	sshll.u32 @!p1 s17, $0x12  }
0x38: {  	s18 =	sand.u32 @!p1 $0x4000, s18;
	s16 =	sadd.s32 @!p1 s5, s16;
	s17 =	sor.u32 @!p1 $0x400, s17  }
0x39: {  	[tilespmem:s18], [sflag:$0x1] =	stream.strided.gather @!p1 [hbm4b:s16+s17], $0x4000, s19, s17, $0x38;
	[tilespmem:$0x10100] =	vst v63  }
0x3a: {  	p1 =	sge.u32 s31, s6  }
.Ltmp2:
0x3b: {  	_ = 	snop;
	(pc) =	sbr.rel @p1 .LBB1_5-.Ltmp2, $1  }
0x3c: {  	_ =	sdelay $0x3  }
0x3d: {  	s16 =	simm.s32 $0x1  }
0x3e: {  	_ =	swait.ge [sflag:s4], $0x4000;
	s16 =	simm.s32 @!p0 $0x0  }
0x3f: {  	[sflag:s4] =	ssyncset.done $0x0;
	s17 =	sshll.u32 s16, $0xE  }
0x40: {  	[sflag:s4] =	ssyncadd.s32 $0xFFFFC000;
	s17 =	sor.u32 $0x40, s17  }
0x41: {  	s16 =	smul.u32 $0x10200, s16;
	v0 =	vld [tilespmem:s17+$0x30]  }
0x42: {  	v1 =	vld [tilespmem:s17+$0xFFFFFFD0]  }
0x43: {  	s16 =	sshrl.u32 s16, $0x2;
	v5 =	vld [tilespmem:s17+$0xFFFFFFE0]  }
0x44: {  	v6 =	vld [tilespmem:s17+$0xFFFFFFF0];
	s19 =	sor.u32 $0x8000, s16  }
0x45: {  	s31 =	sand.u32 $0x1, s13;
	v4 =	vld [tilespmem:s17+$0x0];
	s18 =	sadd.s32 $0x0, s19  }
0x46: {  	v3 =	vld [tilespmem:s17+$0x10];
	s16 =	smul.u32 $0x10200, s31;
	[tilespmem:s18+$0x3870 ss:$0x81] =	vst.msk $0xffff, v0  }
0x47: {  	v2 =	vld [tilespmem:s17+$0x20];
	[tilespmem:s18+$0x810 ss:$0x81] =	vst.msk $0xffff, v1  }
0x48: {  	s16 =	sshrl.u32 s16, $0x2;
	v1 =	vld [tilespmem:s17+$0xFFFFFFC0];
	[tilespmem:s18+$0x1020 ss:$0x81] =	vst.msk $0xffff, v5;
	s17 =	sadd.s32 $0x80, s17  }
0x49: {  	s20 =	simm.s32 $0x4;
	s21 =	simm.s32 $0x8;
	s16 =	sor.u32 $0x8000, s16;
	[tilespmem:s18+$0x1830 ss:$0x81] =	vst.msk $0xffff, v6;
	v0 =	vld [tilespmem:s17+$0x30]  }
.LBB1_3:
0x4a: {  	p1 =	sne.s32 s21, $0x1FC;
	v5 =	vld [tilespmem:s17+$0xFFFFFFD0];
	[tilespmem:s18+$0x2040 ss:$0x81] =	vst.msk $0xffff, v4  }
0x4b: {  	v6 =	vld [tilespmem:s17+$0xFFFFFFE0];
	[tilespmem:s18+$0x2850 ss:$0x81] =	vst.msk $0xffff, v3  }
0x4c: {  	s22 =	sshra.s32 s20, $0x2;
	s20 =	smov.u32 s21;
	v7 =	vld [tilespmem:s17+$0xFFFFFFF0];
	[tilespmem:s18+$0x3060 ss:$0x81] =	vst.msk $0xffff, v2  }
.Ltmp3:
0x4d: {  	v4 =	vld [tilespmem:s17+$0x0];
	[tilespmem:s18+$0x0 ss:$0x81] =	vst.msk $0xffff, v1;
	s18 =	sadd.s32 s22, s19;
	(pc) =	sbr.rel @p1 .LBB1_3-.Ltmp3, $4  }
0x4e: {  	v3 =	vld [tilespmem:s17+$0x10];
	[tilespmem:s18+$0x3870 ss:$0x81] =	vst.msk $0xffff, v0  }
0x4f: {  	[tilespmem:s18+$0x810 ss:$0x81] =	vst.msk $0xffff, v5;
	v2 =	vld [tilespmem:s17+$0x20]  }
0x50: {  	v1 =	vld [tilespmem:s17+$0xFFFFFFC0];
	[tilespmem:s18+$0x1020 ss:$0x81] =	vst.msk $0xffff, v6;
	s17 =	sadd.s32 $0x80, s17  }
0x51: {  	s21 =	sadd.s32 $0x4, s21;
	v0 =	vld [tilespmem:s17+$0x30];
	[tilespmem:s18+$0x1830 ss:$0x81] =	vst.msk $0xffff, v7  }
.Ltmp4:
0x52: {  	_ = 	snop;
	(pc) =	sbr.rel .LBB1_4-.Ltmp4, $1  }
0x53: {  	_ =	sdelay $0x3  }
.LBB1_6:
0x54: {  	_ =	sfence.sel $0x180000  }
0x55: {  	s2 =	simm.s32 $0x1;
	[bflag:$0x0] =	sbarrier.arrive $0xFFFF  }
0x56: {  	s31 =	simm.s32 $0x2;
	[sflag:s2] =	ssyncpa.u1 $0x1  }
0x57: {  	[sflag:s31] =	ssyncpa.u1 $0x1  }
0x58: {  	p0 =	sne.s32 s0, $0x0;
	_ =	strace $0x9000004A  }
0x59: {  	s0 =	sadd.s32 @!p0 $0x100000, s1;
	[bflag:$0x2] =	sbarrier.arrive $0xFFFF  }
0x5a: {  	[sflag:s0] =	ssyncadd.tile.s32 @!p0 $0x1;
	_ =	shalt  }
.Lfunc_end1:
_tile_overlayer_lowered:
.L_overlay_start_2:
0x5b: {  	(tag) =	ssettag $0x2  }
0x5c: {  	s0 =	rddreg [dreg:$0x0];
	s2 =	stileid.u32  }
0x5d: {  	s1 =	rddreg [dreg:$0x1];
	p0 =	sne.s32 s2, $0x0  }
0x5e: {  	s3 =	rddreg [dreg:$0x2];
	[bflag:$0x3] =	sbarrier.arrive $0xFFFF;
	s2 =	simm.s32 @!p0 $0x1C01  }
0x5f: {  	[timem:s3], [sflag:s2] =	dma.local @!p0 [hbm:s0], s1  }
0x60: {  	s0 =	simm.s32 @!p0 $0x1  }
0x61: {  	_ =	swait.ge @!p0 [sflag:s0], s1  }
0x62: {  	s1 =	ssub.s32 @!p0 $0x0, s1;
	[sflag:s0] =	ssyncset.done @!p0 $0x0  }
0x63: {  	[sflag:s0] =	ssyncadd.s32 @!p0 s1  }
0x64: {  	[bflag:$0x3] =	sbarrier.arrive $0xFFFF  }
0x65: {  	_ =	shalt  }

</sc_bundles>
